<compile_context>
chip_gen: v7x
topology: tpu7x:2x2x1
jax: 0.10.2.dev20260603
libtpu: 0.0.44.dev20260713+nightly
codegen_flags: <defaults>
</compile_context>

<pallas_src>
import functools

import jax
import jax.numpy as jnp
from jax import lax
from jax.experimental import pallas as pl
from jax.experimental.pallas import tpu as pltpu
from jax.experimental.pallas import tpu_sc as plsc

SQ3 = 1.7320508075688772
INV_SQ3 = 1.0 / SQ3
_NC = 2
_NS = 16
_NT = _NC * _NS
_CH = 128


def _sc_edge_body(n_pad, ept, rpt, px_hbm, py_hbm, pz_hbm, src_hbm, dst_hbm,
                  zero_hbm, out_hbm, srcb, dstb, gxs, gys, gzs, gxd, gyd, gzd,
                  bx, by, bz, onesb, sem,
                  acc_x, acc_y, acc_z, acc_c):
    c = lax.axis_index("c")
    s = lax.axis_index("s")
    wid = c * _NS + s
    accs = (acc_x, acc_y, acc_z, acc_c)

    rows0 = s * rpt
    sl0 = pl.ds(rows0, rpt)
    for a in accs:
        pltpu.sync_copy(zero_hbm.at[sl0], a.at[sl0])

    ones = jnp.full((16,), 1.0, jnp.float32)
    for g in range(_CH // 16):
        onesb[pl.ds(g * 16, 16)] = ones
    plsc.subcore_barrier()

    base_e = wid * ept
    nchunk = ept // _CH

    def chunk(j, carry):
        cb = base_e + j * _CH
        pltpu.sync_copy(src_hbm.at[pl.ds(cb, _CH)], srcb)
        pltpu.sync_copy(dst_hbm.at[pl.ds(cb, _CH)], dstb)
        cps = [pltpu.async_copy(px_hbm.at[srcb], gxs, sem),
               pltpu.async_copy(py_hbm.at[srcb], gys, sem),
               pltpu.async_copy(pz_hbm.at[srcb], gzs, sem),
               pltpu.async_copy(px_hbm.at[dstb], gxd, sem),
               pltpu.async_copy(py_hbm.at[dstb], gyd, sem),
               pltpu.async_copy(pz_hbm.at[dstb], gzd, sem)]
        for cp in cps:
            cp.wait()
        for g in range(_CH // 16):
            sl = pl.ds(g * 16, 16)
            rx = gxd[sl] - gxs[sl]
            ry = gyd[sl] - gys[sl]
            rz = gzd[sl] - gzs[sl]
            ss = rx * rx + ry * ry + rz * rz + 1e-12
            ii = lax.bitcast_convert_type(ss, jnp.int32)
            ii = 0x5F3759DF - (ii >> 1)
            y = lax.bitcast_convert_type(ii, jnp.float32)
            for _ in range(3):
                y = y * (1.5 - 0.5 * ss * y * y)
            y = SQ3 * y
            bx[sl] = rx * y
            by[sl] = ry * y
            bz[sl] = rz * y
        pltpu.sync_copy(bx, acc_x.at[dstb], add=True)
        pltpu.sync_copy(by, acc_y.at[dstb], add=True)
        pltpu.sync_copy(bz, acc_z.at[dstb], add=True)
        pltpu.sync_copy(onesb, acc_c.at[dstb], add=True)
        return carry

    lax.fori_loop(0, nchunk, chunk, 0)
    plsc.subcore_barrier()
    for k, a in enumerate(accs):
        pltpu.sync_copy(a.at[sl0],
                        out_hbm.at[pl.ds((c * 4 + k) * n_pad + rows0, rpt)])


def _sc_edge_sums(pos_x, pos_y, pos_z, src_p, dst_p, zeros_init,
                  n_pad, ept, rpt):
    mesh = plsc.VectorSubcoreMesh(core_axis_name="c", subcore_axis_name="s")
    fn = pl.kernel(
        functools.partial(_sc_edge_body, n_pad, ept, rpt),
        out_type=jax.ShapeDtypeStruct((_NC * 4 * n_pad,), jnp.float32),
        mesh=mesh,
        scratch_types=[
            pltpu.VMEM((_CH,), jnp.int32),
            pltpu.VMEM((_CH,), jnp.int32),
            pltpu.VMEM((_CH,), jnp.float32),
            pltpu.VMEM((_CH,), jnp.float32),
            pltpu.VMEM((_CH,), jnp.float32),
            pltpu.VMEM((_CH,), jnp.float32),
            pltpu.VMEM((_CH,), jnp.float32),
            pltpu.VMEM((_CH,), jnp.float32),
            pltpu.VMEM((_CH,), jnp.float32),
            pltpu.VMEM((_CH,), jnp.float32),
            pltpu.VMEM((_CH,), jnp.float32),
            pltpu.VMEM((_CH,), jnp.float32),
            pltpu.SemaphoreType.DMA,
            pltpu.VMEM_SHARED((n_pad,), jnp.float32),
            pltpu.VMEM_SHARED((n_pad,), jnp.float32),
            pltpu.VMEM_SHARED((n_pad,), jnp.float32),
            pltpu.VMEM_SHARED((n_pad,), jnp.float32),
        ],
    )
    return fn(pos_x, pos_y, pos_z, src_p, dst_p, zeros_init)


def _mat(wref, x, k):
    out = wref[0] * x[0:1]
    for i in range(1, k):
        out = out + wref[i] * x[i:i + 1]
    return out


def _rep3(x5):
    return jnp.concatenate([x5[j:j + 1] for j in range(5) for _ in range(3)],
                           axis=0)


def _rowsum3(p15):
    return jnp.concatenate(
        [p15[3 * j:3 * j + 1] + p15[3 * j + 1:3 * j + 2] + p15[3 * j + 2:3 * j + 3]
         for j in range(5)], axis=0)


def _gelu(x):
    return 0.5 * x * (1.0 + lax.erf(x * (2 ** -0.5)))


def _tc_node_body(acc_ref, w1sb_ref, w1v_ref, a1w_ref, a1b_ref, w2s_ref,
                  w2v_ref, b2_ref, a2w_ref, a2b_ref, w3s_ref, b3_ref,
                  wm_ref, bm_ref, out_ref):
    tot = acc_ref[0] + acc_ref[1]
    sy = tot[0:3]
    cnt = tot[3:4]
    h = jnp.where(cnt > 0.0, 1.0, 0.0)
    m3 = sy / jnp.maximum(cnt, 1.0)
    m15 = jnp.concatenate([m3] * 5, axis=0)

    s1 = w1sb_ref[...] * h
    v1 = w1v_ref[...] * m15
    g = _gelu(_mat(a1w_ref, s1, 5) + a1b_ref[...])
    s = g[0:5] * s1
    v = _rep3(g[5:10]) * v1

    dotb = _rowsum3(v * m15) * INV_SQ3
    tps = jnp.concatenate([s, dotb], axis=0)
    s2 = (_mat(w2s_ref, tps, 10) + b2_ref[...]) * h
    tpv = jnp.concatenate([v, _rep3(s) * m15], axis=0)
    v2 = None
    for i in range(10):
        t15 = jnp.concatenate([tpv[3 * i:3 * i + 3]] * 5, axis=0)
        term = w2v_ref[i] * t15
        v2 = term if v2 is None else v2 + term
    v2 = v2 * h
    g = _gelu(_mat(a2w_ref, s2, 5) + a2b_ref[...])
    s = g[0:5] * s2
    v = _rep3(g[5:10]) * v2

    dotb = _rowsum3(v * m15) * INV_SQ3
    tps = jnp.concatenate([s, dotb], axis=0)
    s3 = (_mat(w3s_ref, tps, 10) + b3_ref[...]) * h
    logits = _mat(wm_ref, s3, 5) + bm_ref[...]
    zmax = jnp.max(logits, axis=0, keepdims=True)
    e = jnp.exp(logits - zmax)
    out_ref[...] = e / jnp.sum(e, axis=0, keepdims=True)


def _tc_node_net(acc_t, weights, n_pad):
    return pl.pallas_call(
        _tc_node_body,
        out_shape=jax.ShapeDtypeStruct((10, n_pad), jnp.float32),
    )(acc_t, *weights)


def kernel(positions, edge_index, W1_s, W1_v, b1, A1_w, A1_b, W2_s, W2_v,
           b2, A2_w, A2_b, W3_s, b3, Wm, bm):
    n = positions.shape[0]
    e = edge_index.shape[1]

    rpt = ((n + 1 + _NS - 1) // _NS + 63) // 64 * 64
    n_pad = rpt * _NS
    ept = ((e + _NT * _CH - 1) // (_NT * _CH)) * _CH
    e_pad = ept * _NT

    f32 = jnp.float32
    posp = jnp.zeros((3, n_pad), f32).at[:, :n].set(positions.astype(f32).T)
    pad_idx = jnp.full((e_pad - e,), n, jnp.int32)
    src_p = jnp.concatenate([edge_index[0].astype(jnp.int32), pad_idx])
    dst_p = jnp.concatenate([edge_index[1].astype(jnp.int32), pad_idx])
    zeros_init = jnp.zeros((n_pad,), f32)

    sc_flat = _sc_edge_sums(posp[0], posp[1], posp[2], src_p, dst_p,
                            zeros_init, n_pad, ept, rpt)
    acc_t = sc_flat.reshape(_NC, 4, n_pad)

    weights = (
        (W1_s[:, 0] + b1).reshape(5, 1).astype(f32),
        W1_v[:, 0, :].reshape(15, 1).astype(f32),
        A1_w.T.reshape(5, 10, 1).astype(f32),
        A1_b.reshape(10, 1).astype(f32),
        W2_s.T.reshape(10, 5, 1).astype(f32),
        W2_v.transpose(1, 0, 2).reshape(10, 15, 1).astype(f32),
        b2.reshape(5, 1).astype(f32),
        A2_w.T.reshape(5, 10, 1).astype(f32),
        A2_b.reshape(10, 1).astype(f32),
        W3_s.T.reshape(10, 5, 1).astype(f32),
        b3.reshape(5, 1).astype(f32),
        Wm.T.reshape(5, 10, 1).astype(f32),
        bm.reshape(10, 1).astype(f32),
    )
    probs_t = _tc_node_net(acc_t, weights, n_pad)
    return probs_t.T[:n]

# --- scband reference (transcript-rebuilt; emitter-appended) ---
"""Pipeline reference for scband-model-12601434046515 (READ-ONLY COPY).

The authoritative reference and input builder live on the scoring server;
editing this copy changes nothing except your own understanding.
"""

import jax, jax.numpy as jnp
import numpy as np

N = 10000
E = 160000
NUM_CLASSES = 10
SQ3 = float(np.sqrt(3.0))
INV_SQ3 = 1.0 / SQ3


def setup_inputs(seed: int = 0) -> dict:
    key = jax.random.key(seed)
    ks = jax.random.split(key, 20)
    inp = {}
    inp["positions"] = jax.random.normal(ks[0], (N, 3), dtype=jnp.float32) * 5.0
    inp["edge_index"] = jax.random.randint(ks[1], (2, E), 0, N, dtype=jnp.int32)
    # Layer1 linear (TP of 1x0e with sh(1x0e+1x1o) -> 1x0e + 1x1o) -> 5x0e + 5x1o
    inp["W1_s"] = jax.random.normal(ks[2], (5, 1), dtype=jnp.float32)
    inp["W1_v"] = jax.random.normal(ks[3], (5, 1, 3), dtype=jnp.float32)
    inp["b1"] = jax.random.normal(ks[4], (5,), dtype=jnp.float32)
    # ActivationLayer1: LinearLayer (5x0e+5x1o -> 10x0e); only 0e inputs feed 0e outputs
    inp["A1_w"] = jax.random.normal(ks[5], (10, 5), dtype=jnp.float32)
    inp["A1_b"] = jax.random.normal(ks[6], (10,), dtype=jnp.float32)
    # Layer2 linear (TP of 5x0e+5x1o with sh -> 10x0e + 10x1o + 5x1e) -> 5x0e + 5x1o
    inp["W2_s"] = jax.random.normal(ks[7], (5, 10), dtype=jnp.float32)
    inp["W2_v"] = jax.random.normal(ks[8], (5, 10, 3), dtype=jnp.float32)
    inp["b2"] = jax.random.normal(ks[9], (5,), dtype=jnp.float32)
    inp["A2_w"] = jax.random.normal(ks[10], (10, 5), dtype=jnp.float32)
    inp["A2_b"] = jax.random.normal(ks[11], (10,), dtype=jnp.float32)
    # Layer3 linear -> 5x0e only
    inp["W3_s"] = jax.random.normal(ks[12], (5, 10), dtype=jnp.float32)
    inp["b3"] = jax.random.normal(ks[13], (5,), dtype=jnp.float32)
    # output MLP
    inp["Wm"] = jax.random.normal(ks[14], (NUM_CLASSES, 5), dtype=jnp.float32) * 0.1
    inp["bm"] = jnp.zeros((NUM_CLASSES,), dtype=jnp.float32)
    return inp


def _segment_mean(vals, dst, n):
    seg = jax.ops.segment_sum(vals, dst, num_segments=n)
    cnt = jax.ops.segment_sum(jnp.ones((vals.shape[0],), vals.dtype), dst, num_segments=n)
    cnt = jnp.maximum(cnt, 1.0)
    return seg / cnt.reshape((n,) + (1,) * (vals.ndim - 1))


def _forward(positions, edge_index, W1_s, W1_v, b1, A1_w, A1_b,
             W2_s, W2_v, b2, A2_w, A2_b, W3_s, b3, Wm, bm):
    src = edge_index[0]
    dst = edge_index[1]
    n_nodes = positions.shape[0]
    rel = positions[dst] - positions[src]
    nrm = jnp.sqrt(jnp.sum(rel * rel, axis=-1, keepdims=True) + 1e-12)
    # component-normalized spherical harmonics, lmax=1: Y0 = 1, Y1 = sqrt(3) * r_hat
    y1 = SQ3 * rel / nrm
    n_edges = rel.shape[0]

    # ---- Layer 1 (input 1x0e with dummy data = 1) ----
    s_d = jnp.ones((n_edges, 1), dtype=positions.dtype)
    tp_s = s_d                              # 0e x 0e -> 0e
    tp_v = s_d[:, :, None] * y1[:, None, :]  # 0e x 1o -> 1o
    e_s = tp_s @ W1_s.T + b1
    e_v = jnp.einsum('jic,eic->ejc', W1_v, tp_v)
    s = _segment_mean(e_s, dst, n_nodes)
    v = _segment_mean(e_v, dst, n_nodes)

    # ---- Activation 1 (gate each irrep by GELU of a learned scalar) ----
    g = jax.nn.gelu(s @ A1_w.T + A1_b, approximate=False)
    s = g[:, :5] * s
    v = g[:, 5:, None] * v

    # ---- Layer 2 ----
    s_d = s[dst]
    v_d = v[dst]
    dot = jnp.sum(v_d * y1[:, None, :], axis=-1) * INV_SQ3   # 1o x 1o -> 0e
    tp_s = jnp.concatenate([s_d, dot], axis=1)                # 10x0e
    tp_v = jnp.concatenate([v_d, s_d[:, :, None] * y1[:, None, :]], axis=1)  # 10x1o
    # (1o x 1o -> 1e cross-product outputs exist in the TP but are dropped by the
    #  linear layer since 1e is not in the output irreps)
    e_s = tp_s @ W2_s.T + b2
    e_v = jnp.einsum('jic,eic->ejc', W2_v, tp_v)
    s = _segment_mean(e_s, dst, n_nodes)
    v = _segment_mean(e_v, dst, n_nodes)

    # ---- Activation 2 ----
    g = jax.nn.gelu(s @ A2_w.T + A2_b, approximate=False)
    s = g[:, :5] * s
    v = g[:, 5:, None] * v

    # ---- Layer 3 (output 5x0e only) ----
    s_d = s[dst]
    v_d = v[dst]
    dot = jnp.sum(v_d * y1[:, None, :], axis=-1) * INV_SQ3
    tp_s = jnp.concatenate([s_d, dot], axis=1)
    e_s = tp_s @ W3_s.T + b3
    s = _segment_mean(e_s, dst, n_nodes)

    # ---- output MLP + softmax (per-node) ----
    logits = s @ Wm.T + bm
    return jax.nn.softmax(logits, axis=-1)


def reference(positions, edge_index, W1_s, W1_v, b1, A1_w, A1_b,
              W2_s, W2_v, b2, A2_w, A2_b, W3_s, b3, Wm, bm):
    return _forward(positions, edge_index, W1_s, W1_v, b1, A1_w, A1_b,
                    W2_s, W2_v, b2, A2_w, A2_b, W3_s, b3, Wm, bm)

if __name__ == "__main__":
    import jax
    _d = setup_inputs()
    print(jax.jit(kernel)(*tuple(_d.values())))

</pallas_src>

<mosaic_0001>
#map = affine_map<(d0, d1) -> (0)>
module attributes {stable_mosaic.version = 14 : i64} {
  func.func @_sc_edge_body(%arg0: i32, %arg1: i32, %arg2: memref<10240xf32, #tpu.memory_space<hbm>>, %arg3: memref<10240xf32, #tpu.memory_space<hbm>>, %arg4: memref<10240xf32, #tpu.memory_space<hbm>>, %arg5: memref<163840xi32, #tpu.memory_space<hbm>>, %arg6: memref<163840xi32, #tpu.memory_space<hbm>>, %arg7: memref<10240xf32, #tpu.memory_space<hbm>>, %arg8: memref<81920xf32, #tpu.memory_space<hbm>>, %arg9: memref<128xi32, #tpu.memory_space<vmem>>, %arg10: memref<128xi32, #tpu.memory_space<vmem>>, %arg11: memref<128xf32, #tpu.memory_space<vmem>>, %arg12: memref<128xf32, #tpu.memory_space<vmem>>, %arg13: memref<128xf32, #tpu.memory_space<vmem>>, %arg14: memref<128xf32, #tpu.memory_space<vmem>>, %arg15: memref<128xf32, #tpu.memory_space<vmem>>, %arg16: memref<128xf32, #tpu.memory_space<vmem>>, %arg17: memref<128xf32, #tpu.memory_space<vmem>>, %arg18: memref<128xf32, #tpu.memory_space<vmem>>, %arg19: memref<128xf32, #tpu.memory_space<vmem>>, %arg20: memref<128xf32, #tpu.memory_space<vmem>>, %arg21: memref<!tpu.dma_semaphore, #tpu.memory_space<semaphore_mem>>, %arg22: memref<10240xf32, #tpu.memory_space<vmem_shared>>, %arg23: memref<10240xf32, #tpu.memory_space<vmem_shared>>, %arg24: memref<10240xf32, #tpu.memory_space<vmem_shared>>, %arg25: memref<10240xf32, #tpu.memory_space<vmem_shared>>) attributes {dimension_semantics = [#tpu.dimension_semantics<core_parallel>, #tpu.dimension_semantics<subcore_parallel>], iteration_bounds = array<i64: 2, 16>, scalar_prefetch = 0 : i64, scratch_operands = 17 : i64, tpu.core_type = #tpu.core_type<sc_vector_subcore>, window_params = [{transform_indices = #map}, {transform_indices = #map}, {transform_indices = #map}, {transform_indices = #map}, {transform_indices = #map}, {transform_indices = #map}, {transform_indices = #map}]} {
    %mul3A = arith.constant 16 : i32
    %mul3A_0 = arith.muli %arg0, %mul3A : i32
    %add3A = arith.addi %mul3A_0, %arg1 : i32
    %mul3A_1 = arith.constant 640 : i32
    %mul3A_2 = arith.muli %arg1, %mul3A_1 : i32
    "tpu.region"() ({
      %run_scoped3A = tpu.sem_alloc : memref<!tpu.dma_semaphore, #tpu.memory_space<semaphore_mem>>
      %dma_start3A = tpu.memref_slice %arg22[%mul3A_2] : memref<10240xf32, #tpu.memory_space<vmem_shared>> -> memref<640xf32, #tpu.memory_space<vmem_shared>>
      %dma_start3A_71 = tpu.memref_slice %arg7[%mul3A_2] : memref<10240xf32, #tpu.memory_space<hbm>> -> memref<640xf32, #tpu.memory_space<hbm>>
      tpu.enqueue_dma source(%dma_start3A_71 : memref<640xf32, #tpu.memory_space<hbm>>) target(%dma_start3A : memref<640xf32, #tpu.memory_space<vmem_shared>>) target_semaphore(%run_scoped3A : memref<!tpu.dma_semaphore, #tpu.memory_space<semaphore_mem>>)
      %dma_wait3A = tpu.memref_slice %arg22[%mul3A_2] : memref<10240xf32, #tpu.memory_space<vmem_shared>> -> memref<640xf32, #tpu.memory_space<vmem_shared>>
      %dma_wait3A_72 = tpu.memref_slice %arg7[%mul3A_2] : memref<10240xf32, #tpu.memory_space<hbm>> -> memref<640xf32, #tpu.memory_space<hbm>>
      tpu.wait_dma2 semaphore(%run_scoped3A : memref<!tpu.dma_semaphore, #tpu.memory_space<semaphore_mem>>) src(%dma_wait3A_72 : memref<640xf32, #tpu.memory_space<hbm>>) dst(%dma_wait3A : memref<640xf32, #tpu.memory_space<vmem_shared>>)
      tpu.yield
    }) : () -> ()
    "tpu.region"() ({
      %run_scoped3A = tpu.sem_alloc : memref<!tpu.dma_semaphore, #tpu.memory_space<semaphore_mem>>
      %dma_start3A = tpu.memref_slice %arg23[%mul3A_2] : memref<10240xf32, #tpu.memory_space<vmem_shared>> -> memref<640xf32, #tpu.memory_space<vmem_shared>>
      %dma_start3A_71 = tpu.memref_slice %arg7[%mul3A_2] : memref<10240xf32, #tpu.memory_space<hbm>> -> memref<640xf32, #tpu.memory_space<hbm>>
      tpu.enqueue_dma source(%dma_start3A_71 : memref<640xf32, #tpu.memory_space<hbm>>) target(%dma_start3A : memref<640xf32, #tpu.memory_space<vmem_shared>>) target_semaphore(%run_scoped3A : memref<!tpu.dma_semaphore, #tpu.memory_space<semaphore_mem>>)
      %dma_wait3A = tpu.memref_slice %arg23[%mul3A_2] : memref<10240xf32, #tpu.memory_space<vmem_shared>> -> memref<640xf32, #tpu.memory_space<vmem_shared>>
      %dma_wait3A_72 = tpu.memref_slice %arg7[%mul3A_2] : memref<10240xf32, #tpu.memory_space<hbm>> -> memref<640xf32, #tpu.memory_space<hbm>>
      tpu.wait_dma2 semaphore(%run_scoped3A : memref<!tpu.dma_semaphore, #tpu.memory_space<semaphore_mem>>) src(%dma_wait3A_72 : memref<640xf32, #tpu.memory_space<hbm>>) dst(%dma_wait3A : memref<640xf32, #tpu.memory_space<vmem_shared>>)
      tpu.yield
    }) : () -> ()
    "tpu.region"() ({
      %run_scoped3A = tpu.sem_alloc : memref<!tpu.dma_semaphore, #tpu.memory_space<semaphore_mem>>
      %dma_start3A = tpu.memref_slice %arg24[%mul3A_2] : memref<10240xf32, #tpu.memory_space<vmem_shared>> -> memref<640xf32, #tpu.memory_space<vmem_shared>>
      %dma_start3A_71 = tpu.memref_slice %arg7[%mul3A_2] : memref<10240xf32, #tpu.memory_space<hbm>> -> memref<640xf32, #tpu.memory_space<hbm>>
      tpu.enqueue_dma source(%dma_start3A_71 : memref<640xf32, #tpu.memory_space<hbm>>) target(%dma_start3A : memref<640xf32, #tpu.memory_space<vmem_shared>>) target_semaphore(%run_scoped3A : memref<!tpu.dma_semaphore, #tpu.memory_space<semaphore_mem>>)
      %dma_wait3A = tpu.memref_slice %arg24[%mul3A_2] : memref<10240xf32, #tpu.memory_space<vmem_shared>> -> memref<640xf32, #tpu.memory_space<vmem_shared>>
      %dma_wait3A_72 = tpu.memref_slice %arg7[%mul3A_2] : memref<10240xf32, #tpu.memory_space<hbm>> -> memref<640xf32, #tpu.memory_space<hbm>>
      tpu.wait_dma2 semaphore(%run_scoped3A : memref<!tpu.dma_semaphore, #tpu.memory_space<semaphore_mem>>) src(%dma_wait3A_72 : memref<640xf32, #tpu.memory_space<hbm>>) dst(%dma_wait3A : memref<640xf32, #tpu.memory_space<vmem_shared>>)
      tpu.yield
    }) : () -> ()
    "tpu.region"() ({
      %run_scoped3A = tpu.sem_alloc : memref<!tpu.dma_semaphore, #tpu.memory_space<semaphore_mem>>
      %dma_start3A = tpu.memref_slice %arg25[%mul3A_2] : memref<10240xf32, #tpu.memory_space<vmem_shared>> -> memref<640xf32, #tpu.memory_space<vmem_shared>>
      %dma_start3A_71 = tpu.memref_slice %arg7[%mul3A_2] : memref<10240xf32, #tpu.memory_space<hbm>> -> memref<640xf32, #tpu.memory_space<hbm>>
      tpu.enqueue_dma source(%dma_start3A_71 : memref<640xf32, #tpu.memory_space<hbm>>) target(%dma_start3A : memref<640xf32, #tpu.memory_space<vmem_shared>>) target_semaphore(%run_scoped3A : memref<!tpu.dma_semaphore, #tpu.memory_space<semaphore_mem>>)
      %dma_wait3A = tpu.memref_slice %arg25[%mul3A_2] : memref<10240xf32, #tpu.memory_space<vmem_shared>> -> memref<640xf32, #tpu.memory_space<vmem_shared>>
      %dma_wait3A_72 = tpu.memref_slice %arg7[%mul3A_2] : memref<10240xf32, #tpu.memory_space<hbm>> -> memref<640xf32, #tpu.memory_space<hbm>>
      tpu.wait_dma2 semaphore(%run_scoped3A : memref<!tpu.dma_semaphore, #tpu.memory_space<semaphore_mem>>) src(%dma_wait3A_72 : memref<640xf32, #tpu.memory_space<hbm>>) dst(%dma_wait3A : memref<640xf32, #tpu.memory_space<vmem_shared>>)
      tpu.yield
    }) : () -> ()
    %broadcast_in_dim3A = arith.constant 1.000000e+00 : f32
    %broadcast_in_dim3A_3 = vector.broadcast %broadcast_in_dim3A : f32 to vector<16xf32>
    %swap3A = arith.constant 0 : index
    %swap3A_4 = tpu.vector_load %arg20[%swap3A] {strides = array<i32>} : memref<128xf32, #tpu.memory_space<vmem>>, vector<16xf32>,
    %swap3A_5 = vector.shape_cast %swap3A_4 : vector<16xf32> to vector<16xf32>
    %swap3A_6 = vector.shape_cast %broadcast_in_dim3A_3 : vector<16xf32> to vector<16xf32>
    tpu.vector_store %arg20[%swap3A], %swap3A_6 {strides = array<i32>} : memref<128xf32, #tpu.memory_space<vmem>>, vector<16xf32>,
    %swap3A_7 = arith.constant 16 : index
    %swap3A_8 = tpu.vector_load %arg20[%swap3A_7] {strides = array<i32>} : memref<128xf32, #tpu.memory_space<vmem>>, vector<16xf32>,
    %swap3A_9 = vector.shape_cast %swap3A_8 : vector<16xf32> to vector<16xf32>
    %swap3A_10 = vector.shape_cast %broadcast_in_dim3A_3 : vector<16xf32> to vector<16xf32>
    tpu.vector_store %arg20[%swap3A_7], %swap3A_10 {strides = array<i32>} : memref<128xf32, #tpu.memory_space<vmem>>, vector<16xf32>,
    %swap3A_11 = arith.constant 32 : index
    %swap3A_12 = tpu.vector_load %arg20[%swap3A_11] {strides = array<i32>} : memref<128xf32, #tpu.memory_space<vmem>>, vector<16xf32>,
    %swap3A_13 = vector.shape_cast %swap3A_12 : vector<16xf32> to vector<16xf32>
    %swap3A_14 = vector.shape_cast %broadcast_in_dim3A_3 : vector<16xf32> to vector<16xf32>
    tpu.vector_store %arg20[%swap3A_11], %swap3A_14 {strides = array<i32>} : memref<128xf32, #tpu.memory_space<vmem>>, vector<16xf32>,
    %swap3A_15 = arith.constant 48 : index
    %swap3A_16 = tpu.vector_load %arg20[%swap3A_15] {strides = array<i32>} : memref<128xf32, #tpu.memory_space<vmem>>, vector<16xf32>,
    %swap3A_17 = vector.shape_cast %swap3A_16 : vector<16xf32> to vector<16xf32>
    %swap3A_18 = vector.shape_cast %broadcast_in_dim3A_3 : vector<16xf32> to vector<16xf32>
    tpu.vector_store %arg20[%swap3A_15], %swap3A_18 {strides = array<i32>} : memref<128xf32, #tpu.memory_space<vmem>>, vector<16xf32>,
    %swap3A_19 = arith.constant 64 : index
    %swap3A_20 = tpu.vector_load %arg20[%swap3A_19] {strides = array<i32>} : memref<128xf32, #tpu.memory_space<vmem>>, vector<16xf32>,
    %swap3A_21 = vector.shape_cast %swap3A_20 : vector<16xf32> to vector<16xf32>
    %swap3A_22 = vector.shape_cast %broadcast_in_dim3A_3 : vector<16xf32> to vector<16xf32>
    tpu.vector_store %arg20[%swap3A_19], %swap3A_22 {strides = array<i32>} : memref<128xf32, #tpu.memory_space<vmem>>, vector<16xf32>,
    %swap3A_23 = arith.constant 80 : index
    %swap3A_24 = tpu.vector_load %arg20[%swap3A_23] {strides = array<i32>} : memref<128xf32, #tpu.memory_space<vmem>>, vector<16xf32>,
    %swap3A_25 = vector.shape_cast %swap3A_24 : vector<16xf32> to vector<16xf32>
    %swap3A_26 = vector.shape_cast %broadcast_in_dim3A_3 : vector<16xf32> to vector<16xf32>
    tpu.vector_store %arg20[%swap3A_23], %swap3A_26 {strides = array<i32>} : memref<128xf32, #tpu.memory_space<vmem>>, vector<16xf32>,
    %swap3A_27 = arith.constant 96 : index
    %swap3A_28 = tpu.vector_load %arg20[%swap3A_27] {strides = array<i32>} : memref<128xf32, #tpu.memory_space<vmem>>, vector<16xf32>,
    %swap3A_29 = vector.shape_cast %swap3A_28 : vector<16xf32> to vector<16xf32>
    %swap3A_30 = vector.shape_cast %broadcast_in_dim3A_3 : vector<16xf32> to vector<16xf32>
    tpu.vector_store %arg20[%swap3A_27], %swap3A_30 {strides = array<i32>} : memref<128xf32, #tpu.memory_space<vmem>>, vector<16xf32>,
    %swap3A_31 = arith.constant 112 : index
    %swap3A_32 = tpu.vector_load %arg20[%swap3A_31] {strides = array<i32>} : memref<128xf32, #tpu.memory_space<vmem>>, vector<16xf32>,
    %swap3A_33 = vector.shape_cast %swap3A_32 : vector<16xf32> to vector<16xf32>
    %swap3A_34 = vector.shape_cast %broadcast_in_dim3A_3 : vector<16xf32> to vector<16xf32>
    tpu.vector_store %arg20[%swap3A_31], %swap3A_34 {strides = array<i32>} : memref<128xf32, #tpu.memory_space<vmem>>, vector<16xf32>,
    %barrier3A = arith.constant 0 : index
    tpu.barrier barrier_id(%barrier3A)
    %mul3A_35 = arith.constant 5120 : i32
    %mul3A_36 = arith.muli %add3A, %mul3A_35 : i32
    %scan3A = arith.constant 0 : i32
    %scan3A_37 = arith.constant 0 : i32
    %scan3A_38 = arith.constant 40 : i32
    %scan3A_39 = arith.addi %scan3A_37, %scan3A_38 : i32
    %scan3A_40 = arith.constant 1 : i32
    scf.for %scan3A_71 = %scan3A_37 to %scan3A_39 step %scan3A_40  : i32 {
      %mul3A_72 = arith.constant 128 : i32
      %mul3A_73 = arith.muli %scan3A_71, %mul3A_72 : i32
      %add3A_74 = arith.addi %mul3A_36, %mul3A_73 : i32
      "tpu.region"() ({
        %run_scoped3A = tpu.sem_alloc : memref<!tpu.dma_semaphore, #tpu.memory_space<semaphore_mem>>
        %dma_start3A_749 = tpu.memref_slice %arg5[%add3A_74] : memref<163840xi32, #tpu.memory_space<hbm>> -> memref<128xi32, #tpu.memory_space<hbm>>
        %dma_start3A_750 = tpu.memref_slice %arg5[%add3A_74] : memref<163840xi32, #tpu.memory_space<hbm>> -> memref<128xi32, #tpu.memory_space<hbm>>
        tpu.enqueue_dma source(%dma_start3A_750 : memref<128xi32, #tpu.memory_space<hbm>>) target(%arg9 : memref<128xi32, #tpu.memory_space<vmem>>) target_semaphore(%run_scoped3A : memref<!tpu.dma_semaphore, #tpu.memory_space<semaphore_mem>>)
        %dma_wait3A_751 = tpu.memref_slice %arg5[%add3A_74] : memref<163840xi32, #tpu.memory_space<hbm>> -> memref<128xi32, #tpu.memory_space<hbm>>
        %dma_wait3A_752 = tpu.memref_slice %arg5[%add3A_74] : memref<163840xi32, #tpu.memory_space<hbm>> -> memref<128xi32, #tpu.memory_space<hbm>>
        tpu.wait_dma2 semaphore(%run_scoped3A : memref<!tpu.dma_semaphore, #tpu.memory_space<semaphore_mem>>) src(%dma_wait3A_752 : memref<128xi32, #tpu.memory_space<hbm>>) dst(%arg9 : memref<128xi32, #tpu.memory_space<vmem>>)
        tpu.yield
      }) : () -> ()
      "tpu.region"() ({
        %run_scoped3A = tpu.sem_alloc : memref<!tpu.dma_semaphore, #tpu.memory_space<semaphore_mem>>
        %dma_start3A_749 = tpu.memref_slice %arg6[%add3A_74] : memref<163840xi32, #tpu.memory_space<hbm>> -> memref<128xi32, #tpu.memory_space<hbm>>
        %dma_start3A_750 = tpu.memref_slice %arg6[%add3A_74] : memref<163840xi32, #tpu.memory_space<hbm>> -> memref<128xi32, #tpu.memory_space<hbm>>
        tpu.enqueue_dma source(%dma_start3A_750 : memref<128xi32, #tpu.memory_space<hbm>>) target(%arg10 : memref<128xi32, #tpu.memory_space<vmem>>) target_semaphore(%run_scoped3A : memref<!tpu.dma_semaphore, #tpu.memory_space<semaphore_mem>>)
        %dma_wait3A_751 = tpu.memref_slice %arg6[%add3A_74] : memref<163840xi32, #tpu.memory_space<hbm>> -> memref<128xi32, #tpu.memory_space<hbm>>
        %dma_wait3A_752 = tpu.memref_slice %arg6[%add3A_74] : memref<163840xi32, #tpu.memory_space<hbm>> -> memref<128xi32, #tpu.memory_space<hbm>>
        tpu.wait_dma2 semaphore(%run_scoped3A : memref<!tpu.dma_semaphore, #tpu.memory_space<semaphore_mem>>) src(%dma_wait3A_752 : memref<128xi32, #tpu.memory_space<hbm>>) dst(%arg10 : memref<128xi32, #tpu.memory_space<vmem>>)
        tpu.yield
      }) : () -> ()
      %dma_start3A = arith.constant 0 : i32
      %dma_start3A_75 = tpu.memref_slice %arg2[%dma_start3A] : memref<10240xf32, #tpu.memory_space<hbm>> -> memref<10240xf32, #tpu.memory_space<hbm>>
      tpu.enqueue_indirect_dma source(%dma_start3A_75 : memref<10240xf32, #tpu.memory_space<hbm>>) target(%arg11 : memref<128xf32, #tpu.memory_space<vmem>>) offsets(%arg9 : memref<128xi32, #tpu.memory_space<vmem>>) semaphore(%arg21 : memref<!tpu.dma_semaphore, #tpu.memory_space<semaphore_mem>>)
      %dma_start3A_76 = arith.constant 0 : i32
      %dma_start3A_77 = tpu.memref_slice %arg3[%dma_start3A_76] : memref<10240xf32, #tpu.memory_space<hbm>> -> memref<10240xf32, #tpu.memory_space<hbm>>
      tpu.enqueue_indirect_dma source(%dma_start3A_77 : memref<10240xf32, #tpu.memory_space<hbm>>) target(%arg12 : memref<128xf32, #tpu.memory_space<vmem>>) offsets(%arg9 : memref<128xi32, #tpu.memory_space<vmem>>) semaphore(%arg21 : memref<!tpu.dma_semaphore, #tpu.memory_space<semaphore_mem>>)
      %dma_start3A_78 = arith.constant 0 : i32
      %dma_start3A_79 = tpu.memref_slice %arg4[%dma_start3A_78] : memref<10240xf32, #tpu.memory_space<hbm>> -> memref<10240xf32, #tpu.memory_space<hbm>>
      tpu.enqueue_indirect_dma source(%dma_start3A_79 : memref<10240xf32, #tpu.memory_space<hbm>>) target(%arg13 : memref<128xf32, #tpu.memory_space<vmem>>) offsets(%arg9 : memref<128xi32, #tpu.memory_space<vmem>>) semaphore(%arg21 : memref<!tpu.dma_semaphore, #tpu.memory_space<semaphore_mem>>)
      %dma_start3A_80 = arith.constant 0 : i32
      %dma_start3A_81 = tpu.memref_slice %arg2[%dma_start3A_80] : memref<10240xf32, #tpu.memory_space<hbm>> -> memref<10240xf32, #tpu.memory_space<hbm>>
      tpu.enqueue_indirect_dma source(%dma_start3A_81 : memref<10240xf32, #tpu.memory_space<hbm>>) target(%arg14 : memref<128xf32, #tpu.memory_space<vmem>>) offsets(%arg10 : memref<128xi32, #tpu.memory_space<vmem>>) semaphore(%arg21 : memref<!tpu.dma_semaphore, #tpu.memory_space<semaphore_mem>>)
      %dma_start3A_82 = arith.constant 0 : i32
      %dma_start3A_83 = tpu.memref_slice %arg3[%dma_start3A_82] : memref<10240xf32, #tpu.memory_space<hbm>> -> memref<10240xf32, #tpu.memory_space<hbm>>
      tpu.enqueue_indirect_dma source(%dma_start3A_83 : memref<10240xf32, #tpu.memory_space<hbm>>) target(%arg15 : memref<128xf32, #tpu.memory_space<vmem>>) offsets(%arg10 : memref<128xi32, #tpu.memory_space<vmem>>) semaphore(%arg21 : memref<!tpu.dma_semaphore, #tpu.memory_space<semaphore_mem>>)
      %dma_start3A_84 = arith.constant 0 : i32
      %dma_start3A_85 = tpu.memref_slice %arg4[%dma_start3A_84] : memref<10240xf32, #tpu.memory_space<hbm>> -> memref<10240xf32, #tpu.memory_space<hbm>>
      tpu.enqueue_indirect_dma source(%dma_start3A_85 : memref<10240xf32, #tpu.memory_space<hbm>>) target(%arg16 : memref<128xf32, #tpu.memory_space<vmem>>) offsets(%arg10 : memref<128xi32, #tpu.memory_space<vmem>>) semaphore(%arg21 : memref<!tpu.dma_semaphore, #tpu.memory_space<semaphore_mem>>)
      %dma_wait3A = arith.constant 0 : i32
      %dma_wait3A_86 = tpu.memref_slice %arg2[%dma_wait3A] : memref<10240xf32, #tpu.memory_space<hbm>> -> memref<10240xf32, #tpu.memory_space<hbm>>
      tpu.wait_indirect_dma semaphore(%arg21 : memref<!tpu.dma_semaphore, #tpu.memory_space<semaphore_mem>>) src(%dma_wait3A_86 : memref<10240xf32, #tpu.memory_space<hbm>>) dst(%arg11 : memref<128xf32, #tpu.memory_space<vmem>>)
      %dma_wait3A_87 = arith.constant 0 : i32
      %dma_wait3A_88 = tpu.memref_slice %arg3[%dma_wait3A_87] : memref<10240xf32, #tpu.memory_space<hbm>> -> memref<10240xf32, #tpu.memory_space<hbm>>
      tpu.wait_indirect_dma semaphore(%arg21 : memref<!tpu.dma_semaphore, #tpu.memory_space<semaphore_mem>>) src(%dma_wait3A_88 : memref<10240xf32, #tpu.memory_space<hbm>>) dst(%arg12 : memref<128xf32, #tpu.memory_space<vmem>>)
      %dma_wait3A_89 = arith.constant 0 : i32
      %dma_wait3A_90 = tpu.memref_slice %arg4[%dma_wait3A_89] : memref<10240xf32, #tpu.memory_space<hbm>> -> memref<10240xf32, #tpu.memory_space<hbm>>
      tpu.wait_indirect_dma semaphore(%arg21 : memref<!tpu.dma_semaphore, #tpu.memory_space<semaphore_mem>>) src(%dma_wait3A_90 : memref<10240xf32, #tpu.memory_space<hbm>>) dst(%arg13 : memref<128xf32, #tpu.memory_space<vmem>>)
      %dma_wait3A_91 = arith.constant 0 : i32
      %dma_wait3A_92 = tpu.memref_slice %arg2[%dma_wait3A_91] : memref<10240xf32, #tpu.memory_space<hbm>> -> memref<10240xf32, #tpu.memory_space<hbm>>
      tpu.wait_indirect_dma semaphore(%arg21 : memref<!tpu.dma_semaphore, #tpu.memory_space<semaphore_mem>>) src(%dma_wait3A_92 : memref<10240xf32, #tpu.memory_space<hbm>>) dst(%arg14 : memref<128xf32, #tpu.memory_space<vmem>>)
      %dma_wait3A_93 = arith.constant 0 : i32
      %dma_wait3A_94 = tpu.memref_slice %arg3[%dma_wait3A_93] : memref<10240xf32, #tpu.memory_space<hbm>> -> memref<10240xf32, #tpu.memory_space<hbm>>
      tpu.wait_indirect_dma semaphore(%arg21 : memref<!tpu.dma_semaphore, #tpu.memory_space<semaphore_mem>>) src(%dma_wait3A_94 : memref<10240xf32, #tpu.memory_space<hbm>>) dst(%arg15 : memref<128xf32, #tpu.memory_space<vmem>>)
      %dma_wait3A_95 = arith.constant 0 : i32
      %dma_wait3A_96 = tpu.memref_slice %arg4[%dma_wait3A_95] : memref<10240xf32, #tpu.memory_space<hbm>> -> memref<10240xf32, #tpu.memory_space<hbm>>
      tpu.wait_indirect_dma semaphore(%arg21 : memref<!tpu.dma_semaphore, #tpu.memory_space<semaphore_mem>>) src(%dma_wait3A_96 : memref<10240xf32, #tpu.memory_space<hbm>>) dst(%arg16 : memref<128xf32, #tpu.memory_space<vmem>>)
      %get3A = arith.constant 0 : index
      %get3A_97 = tpu.vector_load %arg14[%get3A] {strides = array<i32>} : memref<128xf32, #tpu.memory_space<vmem>>, vector<16xf32>,
      %get3A_98 = vector.shape_cast %get3A_97 : vector<16xf32> to vector<16xf32>
      %get3A_99 = arith.constant 0 : index
      %get3A_100 = tpu.vector_load %arg11[%get3A_99] {strides = array<i32>} : memref<128xf32, #tpu.memory_space<vmem>>, vector<16xf32>,
      %get3A_101 = vector.shape_cast %get3A_100 : vector<16xf32> to vector<16xf32>
      %sub3A = arith.subf %get3A_98, %get3A_101 : vector<16xf32>
      %get3A_102 = arith.constant 0 : index
      %get3A_103 = tpu.vector_load %arg15[%get3A_102] {strides = array<i32>} : memref<128xf32, #tpu.memory_space<vmem>>, vector<16xf32>,
      %get3A_104 = vector.shape_cast %get3A_103 : vector<16xf32> to vector<16xf32>
      %get3A_105 = arith.constant 0 : index
      %get3A_106 = tpu.vector_load %arg12[%get3A_105] {strides = array<i32>} : memref<128xf32, #tpu.memory_space<vmem>>, vector<16xf32>,
      %get3A_107 = vector.shape_cast %get3A_106 : vector<16xf32> to vector<16xf32>
      %sub3A_108 = arith.subf %get3A_104, %get3A_107 : vector<16xf32>
      %get3A_109 = arith.constant 0 : index
      %get3A_110 = tpu.vector_load %arg16[%get3A_109] {strides = array<i32>} : memref<128xf32, #tpu.memory_space<vmem>>, vector<16xf32>,
      %get3A_111 = vector.shape_cast %get3A_110 : vector<16xf32> to vector<16xf32>
      %get3A_112 = arith.constant 0 : index
      %get3A_113 = tpu.vector_load %arg13[%get3A_112] {strides = array<i32>} : memref<128xf32, #tpu.memory_space<vmem>>, vector<16xf32>,
      %get3A_114 = vector.shape_cast %get3A_113 : vector<16xf32> to vector<16xf32>
      %sub3A_115 = arith.subf %get3A_111, %get3A_114 : vector<16xf32>
      %mul3A_116 = arith.mulf %sub3A, %sub3A : vector<16xf32>
      %mul3A_117 = arith.mulf %sub3A_108, %sub3A_108 : vector<16xf32>
      %add3A_118 = arith.addf %mul3A_116, %mul3A_117 : vector<16xf32>
      %mul3A_119 = arith.mulf %sub3A_115, %sub3A_115 : vector<16xf32>
      %add3A_120 = arith.addf %add3A_118, %mul3A_119 : vector<16xf32>
      %add3A_121 = arith.constant 9.99999996E-13 : f32
      %add3A_122 = vector.broadcast %add3A_121 : f32 to vector<16xf32>
      %add3A_123 = arith.addf %add3A_120, %add3A_122 : vector<16xf32>
      %bitcast_convert_type3A = tpu.bitcast %add3A_123 : vector<16xf32> -> vector<16xi32>
      %shift_right_arithmetic3A = arith.constant 1 : i32
      %shift_right_arithmetic3A_124 = vector.broadcast %shift_right_arithmetic3A : i32 to vector<16xi32>
      %shift_right_arithmetic3A_125 = arith.shrsi %bitcast_convert_type3A, %shift_right_arithmetic3A_124 : vector<16xi32>
      %sub3A_126 = arith.constant 1597463007 : i32
      %sub3A_127 = vector.broadcast %sub3A_126 : i32 to vector<16xi32>
      %sub3A_128 = arith.subi %sub3A_127, %shift_right_arithmetic3A_125 : vector<16xi32>
      %bitcast_convert_type3A_129 = tpu.bitcast %sub3A_128 : vector<16xi32> -> vector<16xf32>
      %mul3A_130 = arith.constant 5.000000e-01 : f32
      %mul3A_131 = vector.broadcast %mul3A_130 : f32 to vector<16xf32>
      %mul3A_132 = arith.mulf %mul3A_131, %add3A_123 : vector<16xf32>
      %mul3A_133 = arith.mulf %mul3A_132, %bitcast_convert_type3A_129 : vector<16xf32>
      %mul3A_134 = arith.mulf %mul3A_133, %bitcast_convert_type3A_129 : vector<16xf32>
      %sub3A_135 = arith.constant 1.500000e+00 : f32
      %sub3A_136 = vector.broadcast %sub3A_135 : f32 to vector<16xf32>
      %sub3A_137 = arith.subf %sub3A_136, %mul3A_134 : vector<16xf32>
      %mul3A_138 = arith.mulf %bitcast_convert_type3A_129, %sub3A_137 : vector<16xf32>
      %mul3A_139 = arith.constant 5.000000e-01 : f32
      %mul3A_140 = vector.broadcast %mul3A_139 : f32 to vector<16xf32>
      %mul3A_141 = arith.mulf %mul3A_140, %add3A_123 : vector<16xf32>
      %mul3A_142 = arith.mulf %mul3A_141, %mul3A_138 : vector<16xf32>
      %mul3A_143 = arith.mulf %mul3A_142, %mul3A_138 : vector<16xf32>
      %sub3A_144 = arith.constant 1.500000e+00 : f32
      %sub3A_145 = vector.broadcast %sub3A_144 : f32 to vector<16xf32>
      %sub3A_146 = arith.subf %sub3A_145, %mul3A_143 : vector<16xf32>
      %mul3A_147 = arith.mulf %mul3A_138, %sub3A_146 : vector<16xf32>
      %mul3A_148 = arith.constant 5.000000e-01 : f32
      %mul3A_149 = vector.broadcast %mul3A_148 : f32 to vector<16xf32>
      %mul3A_150 = arith.mulf %mul3A_149, %add3A_123 : vector<16xf32>
      %mul3A_151 = arith.mulf %mul3A_150, %mul3A_147 : vector<16xf32>
      %mul3A_152 = arith.mulf %mul3A_151, %mul3A_147 : vector<16xf32>
      %sub3A_153 = arith.constant 1.500000e+00 : f32
      %sub3A_154 = vector.broadcast %sub3A_153 : f32 to vector<16xf32>
      %sub3A_155 = arith.subf %sub3A_154, %mul3A_152 : vector<16xf32>
      %mul3A_156 = arith.mulf %mul3A_147, %sub3A_155 : vector<16xf32>
      %mul3A_157 = arith.constant 1.73205078 : f32
      %mul3A_158 = vector.broadcast %mul3A_157 : f32 to vector<16xf32>
      %mul3A_159 = arith.mulf %mul3A_158, %mul3A_156 : vector<16xf32>
      %mul3A_160 = arith.mulf %sub3A, %mul3A_159 : vector<16xf32>
      %swap3A_161 = arith.constant 0 : index
      %swap3A_162 = tpu.vector_load %arg17[%swap3A_161] {strides = array<i32>} : memref<128xf32, #tpu.memory_space<vmem>>, vector<16xf32>,
      %swap3A_163 = vector.shape_cast %swap3A_162 : vector<16xf32> to vector<16xf32>
      %swap3A_164 = vector.shape_cast %mul3A_160 : vector<16xf32> to vector<16xf32>
      tpu.vector_store %arg17[%swap3A_161], %swap3A_164 {strides = array<i32>} : memref<128xf32, #tpu.memory_space<vmem>>, vector<16xf32>,
      %mul3A_165 = arith.mulf %sub3A_108, %mul3A_159 : vector<16xf32>
      %swap3A_166 = arith.constant 0 : index
      %swap3A_167 = tpu.vector_load %arg18[%swap3A_166] {strides = array<i32>} : memref<128xf32, #tpu.memory_space<vmem>>, vector<16xf32>,
      %swap3A_168 = vector.shape_cast %swap3A_167 : vector<16xf32> to vector<16xf32>
      %swap3A_169 = vector.shape_cast %mul3A_165 : vector<16xf32> to vector<16xf32>
      tpu.vector_store %arg18[%swap3A_166], %swap3A_169 {strides = array<i32>} : memref<128xf32, #tpu.memory_space<vmem>>, vector<16xf32>,
      %mul3A_170 = arith.mulf %sub3A_115, %mul3A_159 : vector<16xf32>
      %swap3A_171 = arith.constant 0 : index
      %swap3A_172 = tpu.vector_load %arg19[%swap3A_171] {strides = array<i32>} : memref<128xf32, #tpu.memory_space<vmem>>, vector<16xf32>,
      %swap3A_173 = vector.shape_cast %swap3A_172 : vector<16xf32> to vector<16xf32>
      %swap3A_174 = vector.shape_cast %mul3A_170 : vector<16xf32> to vector<16xf32>
      tpu.vector_store %arg19[%swap3A_171], %swap3A_174 {strides = array<i32>} : memref<128xf32, #tpu.memory_space<vmem>>, vector<16xf32>,
      %get3A_175 = arith.constant 16 : index
      %get3A_176 = tpu.vector_load %arg14[%get3A_175] {strides = array<i32>} : memref<128xf32, #tpu.memory_space<vmem>>, vector<16xf32>,
      %get3A_177 = vector.shape_cast %get3A_176 : vector<16xf32> to vector<16xf32>
      %get3A_178 = arith.constant 16 : index
      %get3A_179 = tpu.vector_load %arg11[%get3A_178] {strides = array<i32>} : memref<128xf32, #tpu.memory_space<vmem>>, vector<16xf32>,
      %get3A_180 = vector.shape_cast %get3A_179 : vector<16xf32> to vector<16xf32>
      %sub3A_181 = arith.subf %get3A_177, %get3A_180 : vector<16xf32>
      %get3A_182 = arith.constant 16 : index
      %get3A_183 = tpu.vector_load %arg15[%get3A_182] {strides = array<i32>} : memref<128xf32, #tpu.memory_space<vmem>>, vector<16xf32>,
      %get3A_184 = vector.shape_cast %get3A_183 : vector<16xf32> to vector<16xf32>
      %get3A_185 = arith.constant 16 : index
      %get3A_186 = tpu.vector_load %arg12[%get3A_185] {strides = array<i32>} : memref<128xf32, #tpu.memory_space<vmem>>, vector<16xf32>,
      %get3A_187 = vector.shape_cast %get3A_186 : vector<16xf32> to vector<16xf32>
      %sub3A_188 = arith.subf %get3A_184, %get3A_187 : vector<16xf32>
      %get3A_189 = arith.constant 16 : index
      %get3A_190 = tpu.vector_load %arg16[%get3A_189] {strides = array<i32>} : memref<128xf32, #tpu.memory_space<vmem>>, vector<16xf32>,
      %get3A_191 = vector.shape_cast %get3A_190 : vector<16xf32> to vector<16xf32>
      %get3A_192 = arith.constant 16 : index
      %get3A_193 = tpu.vector_load %arg13[%get3A_192] {strides = array<i32>} : memref<128xf32, #tpu.memory_space<vmem>>, vector<16xf32>,
      %get3A_194 = vector.shape_cast %get3A_193 : vector<16xf32> to vector<16xf32>
      %sub3A_195 = arith.subf %get3A_191, %get3A_194 : vector<16xf32>
      %mul3A_196 = arith.mulf %sub3A_181, %sub3A_181 : vector<16xf32>
      %mul3A_197 = arith.mulf %sub3A_188, %sub3A_188 : vector<16xf32>
      %add3A_198 = arith.addf %mul3A_196, %mul3A_197 : vector<16xf32>
      %mul3A_199 = arith.mulf %sub3A_195, %sub3A_195 : vector<16xf32>
      %add3A_200 = arith.addf %add3A_198, %mul3A_199 : vector<16xf32>
      %add3A_201 = arith.constant 9.99999996E-13 : f32
      %add3A_202 = vector.broadcast %add3A_201 : f32 to vector<16xf32>
      %add3A_203 = arith.addf %add3A_200, %add3A_202 : vector<16xf32>
      %bitcast_convert_type3A_204 = tpu.bitcast %add3A_203 : vector<16xf32> -> vector<16xi32>
      %shift_right_arithmetic3A_205 = arith.constant 1 : i32
      %shift_right_arithmetic3A_206 = vector.broadcast %shift_right_arithmetic3A_205 : i32 to vector<16xi32>
      %shift_right_arithmetic3A_207 = arith.shrsi %bitcast_convert_type3A_204, %shift_right_arithmetic3A_206 : vector<16xi32>
      %sub3A_208 = arith.constant 1597463007 : i32
      %sub3A_209 = vector.broadcast %sub3A_208 : i32 to vector<16xi32>
      %sub3A_210 = arith.subi %sub3A_209, %shift_right_arithmetic3A_207 : vector<16xi32>
      %bitcast_convert_type3A_211 = tpu.bitcast %sub3A_210 : vector<16xi32> -> vector<16xf32>
      %mul3A_212 = arith.constant 5.000000e-01 : f32
      %mul3A_213 = vector.broadcast %mul3A_212 : f32 to vector<16xf32>
      %mul3A_214 = arith.mulf %mul3A_213, %add3A_203 : vector<16xf32>
      %mul3A_215 = arith.mulf %mul3A_214, %bitcast_convert_type3A_211 : vector<16xf32>
      %mul3A_216 = arith.mulf %mul3A_215, %bitcast_convert_type3A_211 : vector<16xf32>
      %sub3A_217 = arith.constant 1.500000e+00 : f32
      %sub3A_218 = vector.broadcast %sub3A_217 : f32 to vector<16xf32>
      %sub3A_219 = arith.subf %sub3A_218, %mul3A_216 : vector<16xf32>
      %mul3A_220 = arith.mulf %bitcast_convert_type3A_211, %sub3A_219 : vector<16xf32>
      %mul3A_221 = arith.constant 5.000000e-01 : f32
      %mul3A_222 = vector.broadcast %mul3A_221 : f32 to vector<16xf32>
      %mul3A_223 = arith.mulf %mul3A_222, %add3A_203 : vector<16xf32>
      %mul3A_224 = arith.mulf %mul3A_223, %mul3A_220 : vector<16xf32>
      %mul3A_225 = arith.mulf %mul3A_224, %mul3A_220 : vector<16xf32>
      %sub3A_226 = arith.constant 1.500000e+00 : f32
      %sub3A_227 = vector.broadcast %sub3A_226 : f32 to vector<16xf32>
      %sub3A_228 = arith.subf %sub3A_227, %mul3A_225 : vector<16xf32>
      %mul3A_229 = arith.mulf %mul3A_220, %sub3A_228 : vector<16xf32>
      %mul3A_230 = arith.constant 5.000000e-01 : f32
      %mul3A_231 = vector.broadcast %mul3A_230 : f32 to vector<16xf32>
      %mul3A_232 = arith.mulf %mul3A_231, %add3A_203 : vector<16xf32>
      %mul3A_233 = arith.mulf %mul3A_232, %mul3A_229 : vector<16xf32>
      %mul3A_234 = arith.mulf %mul3A_233, %mul3A_229 : vector<16xf32>
      %sub3A_235 = arith.constant 1.500000e+00 : f32
      %sub3A_236 = vector.broadcast %sub3A_235 : f32 to vector<16xf32>
      %sub3A_237 = arith.subf %sub3A_236, %mul3A_234 : vector<16xf32>
      %mul3A_238 = arith.mulf %mul3A_229, %sub3A_237 : vector<16xf32>
      %mul3A_239 = arith.constant 1.73205078 : f32
      %mul3A_240 = vector.broadcast %mul3A_239 : f32 to vector<16xf32>
      %mul3A_241 = arith.mulf %mul3A_240, %mul3A_238 : vector<16xf32>
      %mul3A_242 = arith.mulf %sub3A_181, %mul3A_241 : vector<16xf32>
      %swap3A_243 = arith.constant 16 : index
      %swap3A_244 = tpu.vector_load %arg17[%swap3A_243] {strides = array<i32>} : memref<128xf32, #tpu.memory_space<vmem>>, vector<16xf32>,
      %swap3A_245 = vector.shape_cast %swap3A_244 : vector<16xf32> to vector<16xf32>
      %swap3A_246 = vector.shape_cast %mul3A_242 : vector<16xf32> to vector<16xf32>
      tpu.vector_store %arg17[%swap3A_243], %swap3A_246 {strides = array<i32>} : memref<128xf32, #tpu.memory_space<vmem>>, vector<16xf32>,
      %mul3A_247 = arith.mulf %sub3A_188, %mul3A_241 : vector<16xf32>
      %swap3A_248 = arith.constant 16 : index
      %swap3A_249 = tpu.vector_load %arg18[%swap3A_248] {strides = array<i32>} : memref<128xf32, #tpu.memory_space<vmem>>, vector<16xf32>,
      %swap3A_250 = vector.shape_cast %swap3A_249 : vector<16xf32> to vector<16xf32>
      %swap3A_251 = vector.shape_cast %mul3A_247 : vector<16xf32> to vector<16xf32>
      tpu.vector_store %arg18[%swap3A_248], %swap3A_251 {strides = array<i32>} : memref<128xf32, #tpu.memory_space<vmem>>, vector<16xf32>,
      %mul3A_252 = arith.mulf %sub3A_195, %mul3A_241 : vector<16xf32>
      %swap3A_253 = arith.constant 16 : index
      %swap3A_254 = tpu.vector_load %arg19[%swap3A_253] {strides = array<i32>} : memref<128xf32, #tpu.memory_space<vmem>>, vector<16xf32>,
      %swap3A_255 = vector.shape_cast %swap3A_254 : vector<16xf32> to vector<16xf32>
      %swap3A_256 = vector.shape_cast %mul3A_252 : vector<16xf32> to vector<16xf32>
      tpu.vector_store %arg19[%swap3A_253], %swap3A_256 {strides = array<i32>} : memref<128xf32, #tpu.memory_space<vmem>>, vector<16xf32>,
      %get3A_257 = arith.constant 32 : index
      %get3A_258 = tpu.vector_load %arg14[%get3A_257] {strides = array<i32>} : memref<128xf32, #tpu.memory_space<vmem>>, vector<16xf32>,
      %get3A_259 = vector.shape_cast %get3A_258 : vector<16xf32> to vector<16xf32>
      %get3A_260 = arith.constant 32 : index
      %get3A_261 = tpu.vector_load %arg11[%get3A_260] {strides = array<i32>} : memref<128xf32, #tpu.memory_space<vmem>>, vector<16xf32>,
      %get3A_262 = vector.shape_cast %get3A_261 : vector<16xf32> to vector<16xf32>
      %sub3A_263 = arith.subf %get3A_259, %get3A_262 : vector<16xf32>
      %get3A_264 = arith.constant 32 : index
      %get3A_265 = tpu.vector_load %arg15[%get3A_264] {strides = array<i32>} : memref<128xf32, #tpu.memory_space<vmem>>, vector<16xf32>,
      %get3A_266 = vector.shape_cast %get3A_265 : vector<16xf32> to vector<16xf32>
      %get3A_267 = arith.constant 32 : index
      %get3A_268 = tpu.vector_load %arg12[%get3A_267] {strides = array<i32>} : memref<128xf32, #tpu.memory_space<vmem>>, vector<16xf32>,
      %get3A_269 = vector.shape_cast %get3A_268 : vector<16xf32> to vector<16xf32>
      %sub3A_270 = arith.subf %get3A_266, %get3A_269 : vector<16xf32>
      %get3A_271 = arith.constant 32 : index
      %get3A_272 = tpu.vector_load %arg16[%get3A_271] {strides = array<i32>} : memref<128xf32, #tpu.memory_space<vmem>>, vector<16xf32>,
      %get3A_273 = vector.shape_cast %get3A_272 : vector<16xf32> to vector<16xf32>
      %get3A_274 = arith.constant 32 : index
      %get3A_275 = tpu.vector_load %arg13[%get3A_274] {strides = array<i32>} : memref<128xf32, #tpu.memory_space<vmem>>, vector<16xf32>,
      %get3A_276 = vector.shape_cast %get3A_275 : vector<16xf32> to vector<16xf32>
      %sub3A_277 = arith.subf %get3A_273, %get3A_276 : vector<16xf32>
      %mul3A_278 = arith.mulf %sub3A_263, %sub3A_263 : vector<16xf32>
      %mul3A_279 = arith.mulf %sub3A_270, %sub3A_270 : vector<16xf32>
      %add3A_280 = arith.addf %mul3A_278, %mul3A_279 : vector<16xf32>
      %mul3A_281 = arith.mulf %sub3A_277, %sub3A_277 : vector<16xf32>
      %add3A_282 = arith.addf %add3A_280, %mul3A_281 : vector<16xf32>
      %add3A_283 = arith.constant 9.99999996E-13 : f32
      %add3A_284 = vector.broadcast %add3A_283 : f32 to vector<16xf32>
      %add3A_285 = arith.addf %add3A_282, %add3A_284 : vector<16xf32>
      %bitcast_convert_type3A_286 = tpu.bitcast %add3A_285 : vector<16xf32> -> vector<16xi32>
      %shift_right_arithmetic3A_287 = arith.constant 1 : i32
      %shift_right_arithmetic3A_288 = vector.broadcast %shift_right_arithmetic3A_287 : i32 to vector<16xi32>
      %shift_right_arithmetic3A_289 = arith.shrsi %bitcast_convert_type3A_286, %shift_right_arithmetic3A_288 : vector<16xi32>
      %sub3A_290 = arith.constant 1597463007 : i32
      %sub3A_291 = vector.broadcast %sub3A_290 : i32 to vector<16xi32>
      %sub3A_292 = arith.subi %sub3A_291, %shift_right_arithmetic3A_289 : vector<16xi32>
      %bitcast_convert_type3A_293 = tpu.bitcast %sub3A_292 : vector<16xi32> -> vector<16xf32>
      %mul3A_294 = arith.constant 5.000000e-01 : f32
      %mul3A_295 = vector.broadcast %mul3A_294 : f32 to vector<16xf32>
      %mul3A_296 = arith.mulf %mul3A_295, %add3A_285 : vector<16xf32>
      %mul3A_297 = arith.mulf %mul3A_296, %bitcast_convert_type3A_293 : vector<16xf32>
      %mul3A_298 = arith.mulf %mul3A_297, %bitcast_convert_type3A_293 : vector<16xf32>
      %sub3A_299 = arith.constant 1.500000e+00 : f32
      %sub3A_300 = vector.broadcast %sub3A_299 : f32 to vector<16xf32>
      %sub3A_301 = arith.subf %sub3A_300, %mul3A_298 : vector<16xf32>
      %mul3A_302 = arith.mulf %bitcast_convert_type3A_293, %sub3A_301 : vector<16xf32>
      %mul3A_303 = arith.constant 5.000000e-01 : f32
      %mul3A_304 = vector.broadcast %mul3A_303 : f32 to vector<16xf32>
      %mul3A_305 = arith.mulf %mul3A_304, %add3A_285 : vector<16xf32>
      %mul3A_306 = arith.mulf %mul3A_305, %mul3A_302 : vector<16xf32>
      %mul3A_307 = arith.mulf %mul3A_306, %mul3A_302 : vector<16xf32>
      %sub3A_308 = arith.constant 1.500000e+00 : f32
      %sub3A_309 = vector.broadcast %sub3A_308 : f32 to vector<16xf32>
      %sub3A_310 = arith.subf %sub3A_309, %mul3A_307 : vector<16xf32>
      %mul3A_311 = arith.mulf %mul3A_302, %sub3A_310 : vector<16xf32>
      %mul3A_312 = arith.constant 5.000000e-01 : f32
      %mul3A_313 = vector.broadcast %mul3A_312 : f32 to vector<16xf32>
      %mul3A_314 = arith.mulf %mul3A_313, %add3A_285 : vector<16xf32>
      %mul3A_315 = arith.mulf %mul3A_314, %mul3A_311 : vector<16xf32>
      %mul3A_316 = arith.mulf %mul3A_315, %mul3A_311 : vector<16xf32>
      %sub3A_317 = arith.constant 1.500000e+00 : f32
      %sub3A_318 = vector.broadcast %sub3A_317 : f32 to vector<16xf32>
      %sub3A_319 = arith.subf %sub3A_318, %mul3A_316 : vector<16xf32>
      %mul3A_320 = arith.mulf %mul3A_311, %sub3A_319 : vector<16xf32>
      %mul3A_321 = arith.constant 1.73205078 : f32
      %mul3A_322 = vector.broadcast %mul3A_321 : f32 to vector<16xf32>
      %mul3A_323 = arith.mulf %mul3A_322, %mul3A_320 : vector<16xf32>
      %mul3A_324 = arith.mulf %sub3A_263, %mul3A_323 : vector<16xf32>
      %swap3A_325 = arith.constant 32 : index
      %swap3A_326 = tpu.vector_load %arg17[%swap3A_325] {strides = array<i32>} : memref<128xf32, #tpu.memory_space<vmem>>, vector<16xf32>,
      %swap3A_327 = vector.shape_cast %swap3A_326 : vector<16xf32> to vector<16xf32>
      %swap3A_328 = vector.shape_cast %mul3A_324 : vector<16xf32> to vector<16xf32>
      tpu.vector_store %arg17[%swap3A_325], %swap3A_328 {strides = array<i32>} : memref<128xf32, #tpu.memory_space<vmem>>, vector<16xf32>,
      %mul3A_329 = arith.mulf %sub3A_270, %mul3A_323 : vector<16xf32>
      %swap3A_330 = arith.constant 32 : index
      %swap3A_331 = tpu.vector_load %arg18[%swap3A_330] {strides = array<i32>} : memref<128xf32, #tpu.memory_space<vmem>>, vector<16xf32>,
      %swap3A_332 = vector.shape_cast %swap3A_331 : vector<16xf32> to vector<16xf32>
      %swap3A_333 = vector.shape_cast %mul3A_329 : vector<16xf32> to vector<16xf32>
      tpu.vector_store %arg18[%swap3A_330], %swap3A_333 {strides = array<i32>} : memref<128xf32, #tpu.memory_space<vmem>>, vector<16xf32>,
      %mul3A_334 = arith.mulf %sub3A_277, %mul3A_323 : vector<16xf32>
      %swap3A_335 = arith.constant 32 : index
      %swap3A_336 = tpu.vector_load %arg19[%swap3A_335] {strides = array<i32>} : memref<128xf32, #tpu.memory_space<vmem>>, vector<16xf32>,
      %swap3A_337 = vector.shape_cast %swap3A_336 : vector<16xf32> to vector<16xf32>
      %swap3A_338 = vector.shape_cast %mul3A_334 : vector<16xf32> to vector<16xf32>
      tpu.vector_store %arg19[%swap3A_335], %swap3A_338 {strides = array<i32>} : memref<128xf32, #tpu.memory_space<vmem>>, vector<16xf32>,
      %get3A_339 = arith.constant 48 : index
      %get3A_340 = tpu.vector_load %arg14[%get3A_339] {strides = array<i32>} : memref<128xf32, #tpu.memory_space<vmem>>, vector<16xf32>,
      %get3A_341 = vector.shape_cast %get3A_340 : vector<16xf32> to vector<16xf32>
      %get3A_342 = arith.constant 48 : index
      %get3A_343 = tpu.vector_load %arg11[%get3A_342] {strides = array<i32>} : memref<128xf32, #tpu.memory_space<vmem>>, vector<16xf32>,
      %get3A_344 = vector.shape_cast %get3A_343 : vector<16xf32> to vector<16xf32>
      %sub3A_345 = arith.subf %get3A_341, %get3A_344 : vector<16xf32>
      %get3A_346 = arith.constant 48 : index
      %get3A_347 = tpu.vector_load %arg15[%get3A_346] {strides = array<i32>} : memref<128xf32, #tpu.memory_space<vmem>>, vector<16xf32>,
      %get3A_348 = vector.shape_cast %get3A_347 : vector<16xf32> to vector<16xf32>
      %get3A_349 = arith.constant 48 : index
      %get3A_350 = tpu.vector_load %arg12[%get3A_349] {strides = array<i32>} : memref<128xf32, #tpu.memory_space<vmem>>, vector<16xf32>,
      %get3A_351 = vector.shape_cast %get3A_350 : vector<16xf32> to vector<16xf32>
      %sub3A_352 = arith.subf %get3A_348, %get3A_351 : vector<16xf32>
      %get3A_353 = arith.constant 48 : index
      %get3A_354 = tpu.vector_load %arg16[%get3A_353] {strides = array<i32>} : memref<128xf32, #tpu.memory_space<vmem>>, vector<16xf32>,
      %get3A_355 = vector.shape_cast %get3A_354 : vector<16xf32> to vector<16xf32>
      %get3A_356 = arith.constant 48 : index
      %get3A_357 = tpu.vector_load %arg13[%get3A_356] {strides = array<i32>} : memref<128xf32, #tpu.memory_space<vmem>>, vector<16xf32>,
      %get3A_358 = vector.shape_cast %get3A_357 : vector<16xf32> to vector<16xf32>
      %sub3A_359 = arith.subf %get3A_355, %get3A_358 : vector<16xf32>
      %mul3A_360 = arith.mulf %sub3A_345, %sub3A_345 : vector<16xf32>
      %mul3A_361 = arith.mulf %sub3A_352, %sub3A_352 : vector<16xf32>
      %add3A_362 = arith.addf %mul3A_360, %mul3A_361 : vector<16xf32>
      %mul3A_363 = arith.mulf %sub3A_359, %sub3A_359 : vector<16xf32>
      %add3A_364 = arith.addf %add3A_362, %mul3A_363 : vector<16xf32>
      %add3A_365 = arith.constant 9.99999996E-13 : f32
      %add3A_366 = vector.broadcast %add3A_365 : f32 to vector<16xf32>
      %add3A_367 = arith.addf %add3A_364, %add3A_366 : vector<16xf32>
      %bitcast_convert_type3A_368 = tpu.bitcast %add3A_367 : vector<16xf32> -> vector<16xi32>
      %shift_right_arithmetic3A_369 = arith.constant 1 : i32
      %shift_right_arithmetic3A_370 = vector.broadcast %shift_right_arithmetic3A_369 : i32 to vector<16xi32>
      %shift_right_arithmetic3A_371 = arith.shrsi %bitcast_convert_type3A_368, %shift_right_arithmetic3A_370 : vector<16xi32>
      %sub3A_372 = arith.constant 1597463007 : i32
      %sub3A_373 = vector.broadcast %sub3A_372 : i32 to vector<16xi32>
      %sub3A_374 = arith.subi %sub3A_373, %shift_right_arithmetic3A_371 : vector<16xi32>
      %bitcast_convert_type3A_375 = tpu.bitcast %sub3A_374 : vector<16xi32> -> vector<16xf32>
      %mul3A_376 = arith.constant 5.000000e-01 : f32
      %mul3A_377 = vector.broadcast %mul3A_376 : f32 to vector<16xf32>
      %mul3A_378 = arith.mulf %mul3A_377, %add3A_367 : vector<16xf32>
      %mul3A_379 = arith.mulf %mul3A_378, %bitcast_convert_type3A_375 : vector<16xf32>
      %mul3A_380 = arith.mulf %mul3A_379, %bitcast_convert_type3A_375 : vector<16xf32>
      %sub3A_381 = arith.constant 1.500000e+00 : f32
      %sub3A_382 = vector.broadcast %sub3A_381 : f32 to vector<16xf32>
      %sub3A_383 = arith.subf %sub3A_382, %mul3A_380 : vector<16xf32>
      %mul3A_384 = arith.mulf %bitcast_convert_type3A_375, %sub3A_383 : vector<16xf32>
      %mul3A_385 = arith.constant 5.000000e-01 : f32
      %mul3A_386 = vector.broadcast %mul3A_385 : f32 to vector<16xf32>
      %mul3A_387 = arith.mulf %mul3A_386, %add3A_367 : vector<16xf32>
      %mul3A_388 = arith.mulf %mul3A_387, %mul3A_384 : vector<16xf32>
      %mul3A_389 = arith.mulf %mul3A_388, %mul3A_384 : vector<16xf32>
      %sub3A_390 = arith.constant 1.500000e+00 : f32
      %sub3A_391 = vector.broadcast %sub3A_390 : f32 to vector<16xf32>
      %sub3A_392 = arith.subf %sub3A_391, %mul3A_389 : vector<16xf32>
      %mul3A_393 = arith.mulf %mul3A_384, %sub3A_392 : vector<16xf32>
      %mul3A_394 = arith.constant 5.000000e-01 : f32
      %mul3A_395 = vector.broadcast %mul3A_394 : f32 to vector<16xf32>
      %mul3A_396 = arith.mulf %mul3A_395, %add3A_367 : vector<16xf32>
      %mul3A_397 = arith.mulf %mul3A_396, %mul3A_393 : vector<16xf32>
      %mul3A_398 = arith.mulf %mul3A_397, %mul3A_393 : vector<16xf32>
      %sub3A_399 = arith.constant 1.500000e+00 : f32
      %sub3A_400 = vector.broadcast %sub3A_399 : f32 to vector<16xf32>
      %sub3A_401 = arith.subf %sub3A_400, %mul3A_398 : vector<16xf32>
      %mul3A_402 = arith.mulf %mul3A_393, %sub3A_401 : vector<16xf32>
      %mul3A_403 = arith.constant 1.73205078 : f32
      %mul3A_404 = vector.broadcast %mul3A_403 : f32 to vector<16xf32>
      %mul3A_405 = arith.mulf %mul3A_404, %mul3A_402 : vector<16xf32>
      %mul3A_406 = arith.mulf %sub3A_345, %mul3A_405 : vector<16xf32>
      %swap3A_407 = arith.constant 48 : index
      %swap3A_408 = tpu.vector_load %arg17[%swap3A_407] {strides = array<i32>} : memref<128xf32, #tpu.memory_space<vmem>>, vector<16xf32>,
      %swap3A_409 = vector.shape_cast %swap3A_408 : vector<16xf32> to vector<16xf32>
      %swap3A_410 = vector.shape_cast %mul3A_406 : vector<16xf32> to vector<16xf32>
      tpu.vector_store %arg17[%swap3A_407], %swap3A_410 {strides = array<i32>} : memref<128xf32, #tpu.memory_space<vmem>>, vector<16xf32>,
      %mul3A_411 = arith.mulf %sub3A_352, %mul3A_405 : vector<16xf32>
      %swap3A_412 = arith.constant 48 : index
      %swap3A_413 = tpu.vector_load %arg18[%swap3A_412] {strides = array<i32>} : memref<128xf32, #tpu.memory_space<vmem>>, vector<16xf32>,
      %swap3A_414 = vector.shape_cast %swap3A_413 : vector<16xf32> to vector<16xf32>
      %swap3A_415 = vector.shape_cast %mul3A_411 : vector<16xf32> to vector<16xf32>
      tpu.vector_store %arg18[%swap3A_412], %swap3A_415 {strides = array<i32>} : memref<128xf32, #tpu.memory_space<vmem>>, vector<16xf32>,
      %mul3A_416 = arith.mulf %sub3A_359, %mul3A_405 : vector<16xf32>
      %swap3A_417 = arith.constant 48 : index
      %swap3A_418 = tpu.vector_load %arg19[%swap3A_417] {strides = array<i32>} : memref<128xf32, #tpu.memory_space<vmem>>, vector<16xf32>,
      %swap3A_419 = vector.shape_cast %swap3A_418 : vector<16xf32> to vector<16xf32>
      %swap3A_420 = vector.shape_cast %mul3A_416 : vector<16xf32> to vector<16xf32>
      tpu.vector_store %arg19[%swap3A_417], %swap3A_420 {strides = array<i32>} : memref<128xf32, #tpu.memory_space<vmem>>, vector<16xf32>,
      %get3A_421 = arith.constant 64 : index
      %get3A_422 = tpu.vector_load %arg14[%get3A_421] {strides = array<i32>} : memref<128xf32, #tpu.memory_space<vmem>>, vector<16xf32>,
      %get3A_423 = vector.shape_cast %get3A_422 : vector<16xf32> to vector<16xf32>
      %get3A_424 = arith.constant 64 : index
      %get3A_425 = tpu.vector_load %arg11[%get3A_424] {strides = array<i32>} : memref<128xf32, #tpu.memory_space<vmem>>, vector<16xf32>,
      %get3A_426 = vector.shape_cast %get3A_425 : vector<16xf32> to vector<16xf32>
      %sub3A_427 = arith.subf %get3A_423, %get3A_426 : vector<16xf32>
      %get3A_428 = arith.constant 64 : index
      %get3A_429 = tpu.vector_load %arg15[%get3A_428] {strides = array<i32>} : memref<128xf32, #tpu.memory_space<vmem>>, vector<16xf32>,
      %get3A_430 = vector.shape_cast %get3A_429 : vector<16xf32> to vector<16xf32>
      %get3A_431 = arith.constant 64 : index
      %get3A_432 = tpu.vector_load %arg12[%get3A_431] {strides = array<i32>} : memref<128xf32, #tpu.memory_space<vmem>>, vector<16xf32>,
      %get3A_433 = vector.shape_cast %get3A_432 : vector<16xf32> to vector<16xf32>
      %sub3A_434 = arith.subf %get3A_430, %get3A_433 : vector<16xf32>
      %get3A_435 = arith.constant 64 : index
      %get3A_436 = tpu.vector_load %arg16[%get3A_435] {strides = array<i32>} : memref<128xf32, #tpu.memory_space<vmem>>, vector<16xf32>,
      %get3A_437 = vector.shape_cast %get3A_436 : vector<16xf32> to vector<16xf32>
      %get3A_438 = arith.constant 64 : index
      %get3A_439 = tpu.vector_load %arg13[%get3A_438] {strides = array<i32>} : memref<128xf32, #tpu.memory_space<vmem>>, vector<16xf32>,
      %get3A_440 = vector.shape_cast %get3A_439 : vector<16xf32> to vector<16xf32>
      %sub3A_441 = arith.subf %get3A_437, %get3A_440 : vector<16xf32>
      %mul3A_442 = arith.mulf %sub3A_427, %sub3A_427 : vector<16xf32>
      %mul3A_443 = arith.mulf %sub3A_434, %sub3A_434 : vector<16xf32>
      %add3A_444 = arith.addf %mul3A_442, %mul3A_443 : vector<16xf32>
      %mul3A_445 = arith.mulf %sub3A_441, %sub3A_441 : vector<16xf32>
      %add3A_446 = arith.addf %add3A_444, %mul3A_445 : vector<16xf32>
      %add3A_447 = arith.constant 9.99999996E-13 : f32
      %add3A_448 = vector.broadcast %add3A_447 : f32 to vector<16xf32>
      %add3A_449 = arith.addf %add3A_446, %add3A_448 : vector<16xf32>
      %bitcast_convert_type3A_450 = tpu.bitcast %add3A_449 : vector<16xf32> -> vector<16xi32>
      %shift_right_arithmetic3A_451 = arith.constant 1 : i32
      %shift_right_arithmetic3A_452 = vector.broadcast %shift_right_arithmetic3A_451 : i32 to vector<16xi32>
      %shift_right_arithmetic3A_453 = arith.shrsi %bitcast_convert_type3A_450, %shift_right_arithmetic3A_452 : vector<16xi32>
      %sub3A_454 = arith.constant 1597463007 : i32
      %sub3A_455 = vector.broadcast %sub3A_454 : i32 to vector<16xi32>
      %sub3A_456 = arith.subi %sub3A_455, %shift_right_arithmetic3A_453 : vector<16xi32>
      %bitcast_convert_type3A_457 = tpu.bitcast %sub3A_456 : vector<16xi32> -> vector<16xf32>
      %mul3A_458 = arith.constant 5.000000e-01 : f32
      %mul3A_459 = vector.broadcast %mul3A_458 : f32 to vector<16xf32>
      %mul3A_460 = arith.mulf %mul3A_459, %add3A_449 : vector<16xf32>
      %mul3A_461 = arith.mulf %mul3A_460, %bitcast_convert_type3A_457 : vector<16xf32>
      %mul3A_462 = arith.mulf %mul3A_461, %bitcast_convert_type3A_457 : vector<16xf32>
      %sub3A_463 = arith.constant 1.500000e+00 : f32
      %sub3A_464 = vector.broadcast %sub3A_463 : f32 to vector<16xf32>
      %sub3A_465 = arith.subf %sub3A_464, %mul3A_462 : vector<16xf32>
      %mul3A_466 = arith.mulf %bitcast_convert_type3A_457, %sub3A_465 : vector<16xf32>
      %mul3A_467 = arith.constant 5.000000e-01 : f32
      %mul3A_468 = vector.broadcast %mul3A_467 : f32 to vector<16xf32>
      %mul3A_469 = arith.mulf %mul3A_468, %add3A_449 : vector<16xf32>
      %mul3A_470 = arith.mulf %mul3A_469, %mul3A_466 : vector<16xf32>
      %mul3A_471 = arith.mulf %mul3A_470, %mul3A_466 : vector<16xf32>
      %sub3A_472 = arith.constant 1.500000e+00 : f32
      %sub3A_473 = vector.broadcast %sub3A_472 : f32 to vector<16xf32>
      %sub3A_474 = arith.subf %sub3A_473, %mul3A_471 : vector<16xf32>
      %mul3A_475 = arith.mulf %mul3A_466, %sub3A_474 : vector<16xf32>
      %mul3A_476 = arith.constant 5.000000e-01 : f32
      %mul3A_477 = vector.broadcast %mul3A_476 : f32 to vector<16xf32>
      %mul3A_478 = arith.mulf %mul3A_477, %add3A_449 : vector<16xf32>
      %mul3A_479 = arith.mulf %mul3A_478, %mul3A_475 : vector<16xf32>
      %mul3A_480 = arith.mulf %mul3A_479, %mul3A_475 : vector<16xf32>
      %sub3A_481 = arith.constant 1.500000e+00 : f32
      %sub3A_482 = vector.broadcast %sub3A_481 : f32 to vector<16xf32>
      %sub3A_483 = arith.subf %sub3A_482, %mul3A_480 : vector<16xf32>
      %mul3A_484 = arith.mulf %mul3A_475, %sub3A_483 : vector<16xf32>
      %mul3A_485 = arith.constant 1.73205078 : f32
      %mul3A_486 = vector.broadcast %mul3A_485 : f32 to vector<16xf32>
      %mul3A_487 = arith.mulf %mul3A_486, %mul3A_484 : vector<16xf32>
      %mul3A_488 = arith.mulf %sub3A_427, %mul3A_487 : vector<16xf32>
      %swap3A_489 = arith.constant 64 : index
      %swap3A_490 = tpu.vector_load %arg17[%swap3A_489] {strides = array<i32>} : memref<128xf32, #tpu.memory_space<vmem>>, vector<16xf32>,
      %swap3A_491 = vector.shape_cast %swap3A_490 : vector<16xf32> to vector<16xf32>
      %swap3A_492 = vector.shape_cast %mul3A_488 : vector<16xf32> to vector<16xf32>
      tpu.vector_store %arg17[%swap3A_489], %swap3A_492 {strides = array<i32>} : memref<128xf32, #tpu.memory_space<vmem>>, vector<16xf32>,
      %mul3A_493 = arith.mulf %sub3A_434, %mul3A_487 : vector<16xf32>
      %swap3A_494 = arith.constant 64 : index
      %swap3A_495 = tpu.vector_load %arg18[%swap3A_494] {strides = array<i32>} : memref<128xf32, #tpu.memory_space<vmem>>, vector<16xf32>,
      %swap3A_496 = vector.shape_cast %swap3A_495 : vector<16xf32> to vector<16xf32>
      %swap3A_497 = vector.shape_cast %mul3A_493 : vector<16xf32> to vector<16xf32>
      tpu.vector_store %arg18[%swap3A_494], %swap3A_497 {strides = array<i32>} : memref<128xf32, #tpu.memory_space<vmem>>, vector<16xf32>,
      %mul3A_498 = arith.mulf %sub3A_441, %mul3A_487 : vector<16xf32>
      %swap3A_499 = arith.constant 64 : index
      %swap3A_500 = tpu.vector_load %arg19[%swap3A_499] {strides = array<i32>} : memref<128xf32, #tpu.memory_space<vmem>>, vector<16xf32>,
      %swap3A_501 = vector.shape_cast %swap3A_500 : vector<16xf32> to vector<16xf32>
      %swap3A_502 = vector.shape_cast %mul3A_498 : vector<16xf32> to vector<16xf32>
      tpu.vector_store %arg19[%swap3A_499], %swap3A_502 {strides = array<i32>} : memref<128xf32, #tpu.memory_space<vmem>>, vector<16xf32>,
      %get3A_503 = arith.constant 80 : index
      %get3A_504 = tpu.vector_load %arg14[%get3A_503] {strides = array<i32>} : memref<128xf32, #tpu.memory_space<vmem>>, vector<16xf32>,
      %get3A_505 = vector.shape_cast %get3A_504 : vector<16xf32> to vector<16xf32>
      %get3A_506 = arith.constant 80 : index
      %get3A_507 = tpu.vector_load %arg11[%get3A_506] {strides = array<i32>} : memref<128xf32, #tpu.memory_space<vmem>>, vector<16xf32>,
      %get3A_508 = vector.shape_cast %get3A_507 : vector<16xf32> to vector<16xf32>
      %sub3A_509 = arith.subf %get3A_505, %get3A_508 : vector<16xf32>
      %get3A_510 = arith.constant 80 : index
      %get3A_511 = tpu.vector_load %arg15[%get3A_510] {strides = array<i32>} : memref<128xf32, #tpu.memory_space<vmem>>, vector<16xf32>,
      %get3A_512 = vector.shape_cast %get3A_511 : vector<16xf32> to vector<16xf32>
      %get3A_513 = arith.constant 80 : index
      %get3A_514 = tpu.vector_load %arg12[%get3A_513] {strides = array<i32>} : memref<128xf32, #tpu.memory_space<vmem>>, vector<16xf32>,
      %get3A_515 = vector.shape_cast %get3A_514 : vector<16xf32> to vector<16xf32>
      %sub3A_516 = arith.subf %get3A_512, %get3A_515 : vector<16xf32>
      %get3A_517 = arith.constant 80 : index
      %get3A_518 = tpu.vector_load %arg16[%get3A_517] {strides = array<i32>} : memref<128xf32, #tpu.memory_space<vmem>>, vector<16xf32>,
      %get3A_519 = vector.shape_cast %get3A_518 : vector<16xf32> to vector<16xf32>
      %get3A_520 = arith.constant 80 : index
      %get3A_521 = tpu.vector_load %arg13[%get3A_520] {strides = array<i32>} : memref<128xf32, #tpu.memory_space<vmem>>, vector<16xf32>,
      %get3A_522 = vector.shape_cast %get3A_521 : vector<16xf32> to vector<16xf32>
      %sub3A_523 = arith.subf %get3A_519, %get3A_522 : vector<16xf32>
      %mul3A_524 = arith.mulf %sub3A_509, %sub3A_509 : vector<16xf32>
      %mul3A_525 = arith.mulf %sub3A_516, %sub3A_516 : vector<16xf32>
      %add3A_526 = arith.addf %mul3A_524, %mul3A_525 : vector<16xf32>
      %mul3A_527 = arith.mulf %sub3A_523, %sub3A_523 : vector<16xf32>
      %add3A_528 = arith.addf %add3A_526, %mul3A_527 : vector<16xf32>
      %add3A_529 = arith.constant 9.99999996E-13 : f32
      %add3A_530 = vector.broadcast %add3A_529 : f32 to vector<16xf32>
      %add3A_531 = arith.addf %add3A_528, %add3A_530 : vector<16xf32>
      %bitcast_convert_type3A_532 = tpu.bitcast %add3A_531 : vector<16xf32> -> vector<16xi32>
      %shift_right_arithmetic3A_533 = arith.constant 1 : i32
      %shift_right_arithmetic3A_534 = vector.broadcast %shift_right_arithmetic3A_533 : i32 to vector<16xi32>
      %shift_right_arithmetic3A_535 = arith.shrsi %bitcast_convert_type3A_532, %shift_right_arithmetic3A_534 : vector<16xi32>
      %sub3A_536 = arith.constant 1597463007 : i32
      %sub3A_537 = vector.broadcast %sub3A_536 : i32 to vector<16xi32>
      %sub3A_538 = arith.subi %sub3A_537, %shift_right_arithmetic3A_535 : vector<16xi32>
      %bitcast_convert_type3A_539 = tpu.bitcast %sub3A_538 : vector<16xi32> -> vector<16xf32>
      %mul3A_540 = arith.constant 5.000000e-01 : f32
      %mul3A_541 = vector.broadcast %mul3A_540 : f32 to vector<16xf32>
      %mul3A_542 = arith.mulf %mul3A_541, %add3A_531 : vector<16xf32>
      %mul3A_543 = arith.mulf %mul3A_542, %bitcast_convert_type3A_539 : vector<16xf32>
      %mul3A_544 = arith.mulf %mul3A_543, %bitcast_convert_type3A_539 : vector<16xf32>
      %sub3A_545 = arith.constant 1.500000e+00 : f32
      %sub3A_546 = vector.broadcast %sub3A_545 : f32 to vector<16xf32>
      %sub3A_547 = arith.subf %sub3A_546, %mul3A_544 : vector<16xf32>
      %mul3A_548 = arith.mulf %bitcast_convert_type3A_539, %sub3A_547 : vector<16xf32>
      %mul3A_549 = arith.constant 5.000000e-01 : f32
      %mul3A_550 = vector.broadcast %mul3A_549 : f32 to vector<16xf32>
      %mul3A_551 = arith.mulf %mul3A_550, %add3A_531 : vector<16xf32>
      %mul3A_552 = arith.mulf %mul3A_551, %mul3A_548 : vector<16xf32>
      %mul3A_553 = arith.mulf %mul3A_552, %mul3A_548 : vector<16xf32>
      %sub3A_554 = arith.constant 1.500000e+00 : f32
      %sub3A_555 = vector.broadcast %sub3A_554 : f32 to vector<16xf32>
      %sub3A_556 = arith.subf %sub3A_555, %mul3A_553 : vector<16xf32>
      %mul3A_557 = arith.mulf %mul3A_548, %sub3A_556 : vector<16xf32>
      %mul3A_558 = arith.constant 5.000000e-01 : f32
      %mul3A_559 = vector.broadcast %mul3A_558 : f32 to vector<16xf32>
      %mul3A_560 = arith.mulf %mul3A_559, %add3A_531 : vector<16xf32>
      %mul3A_561 = arith.mulf %mul3A_560, %mul3A_557 : vector<16xf32>
      %mul3A_562 = arith.mulf %mul3A_561, %mul3A_557 : vector<16xf32>
      %sub3A_563 = arith.constant 1.500000e+00 : f32
      %sub3A_564 = vector.broadcast %sub3A_563 : f32 to vector<16xf32>
      %sub3A_565 = arith.subf %sub3A_564, %mul3A_562 : vector<16xf32>
      %mul3A_566 = arith.mulf %mul3A_557, %sub3A_565 : vector<16xf32>
      %mul3A_567 = arith.constant 1.73205078 : f32
      %mul3A_568 = vector.broadcast %mul3A_567 : f32 to vector<16xf32>
      %mul3A_569 = arith.mulf %mul3A_568, %mul3A_566 : vector<16xf32>
      %mul3A_570 = arith.mulf %sub3A_509, %mul3A_569 : vector<16xf32>
      %swap3A_571 = arith.constant 80 : index
      %swap3A_572 = tpu.vector_load %arg17[%swap3A_571] {strides = array<i32>} : memref<128xf32, #tpu.memory_space<vmem>>, vector<16xf32>,
      %swap3A_573 = vector.shape_cast %swap3A_572 : vector<16xf32> to vector<16xf32>
      %swap3A_574 = vector.shape_cast %mul3A_570 : vector<16xf32> to vector<16xf32>
      tpu.vector_store %arg17[%swap3A_571], %swap3A_574 {strides = array<i32>} : memref<128xf32, #tpu.memory_space<vmem>>, vector<16xf32>,
      %mul3A_575 = arith.mulf %sub3A_516, %mul3A_569 : vector<16xf32>
      %swap3A_576 = arith.constant 80 : index
      %swap3A_577 = tpu.vector_load %arg18[%swap3A_576] {strides = array<i32>} : memref<128xf32, #tpu.memory_space<vmem>>, vector<16xf32>,
      %swap3A_578 = vector.shape_cast %swap3A_577 : vector<16xf32> to vector<16xf32>
      %swap3A_579 = vector.shape_cast %mul3A_575 : vector<16xf32> to vector<16xf32>
      tpu.vector_store %arg18[%swap3A_576], %swap3A_579 {strides = array<i32>} : memref<128xf32, #tpu.memory_space<vmem>>, vector<16xf32>,
      %mul3A_580 = arith.mulf %sub3A_523, %mul3A_569 : vector<16xf32>
      %swap3A_581 = arith.constant 80 : index
      %swap3A_582 = tpu.vector_load %arg19[%swap3A_581] {strides = array<i32>} : memref<128xf32, #tpu.memory_space<vmem>>, vector<16xf32>,
      %swap3A_583 = vector.shape_cast %swap3A_582 : vector<16xf32> to vector<16xf32>
      %swap3A_584 = vector.shape_cast %mul3A_580 : vector<16xf32> to vector<16xf32>
      tpu.vector_store %arg19[%swap3A_581], %swap3A_584 {strides = array<i32>} : memref<128xf32, #tpu.memory_space<vmem>>, vector<16xf32>,
      %get3A_585 = arith.constant 96 : index
      %get3A_586 = tpu.vector_load %arg14[%get3A_585] {strides = array<i32>} : memref<128xf32, #tpu.memory_space<vmem>>, vector<16xf32>,
      %get3A_587 = vector.shape_cast %get3A_586 : vector<16xf32> to vector<16xf32>
      %get3A_588 = arith.constant 96 : index
      %get3A_589 = tpu.vector_load %arg11[%get3A_588] {strides = array<i32>} : memref<128xf32, #tpu.memory_space<vmem>>, vector<16xf32>,
      %get3A_590 = vector.shape_cast %get3A_589 : vector<16xf32> to vector<16xf32>
      %sub3A_591 = arith.subf %get3A_587, %get3A_590 : vector<16xf32>
      %get3A_592 = arith.constant 96 : index
      %get3A_593 = tpu.vector_load %arg15[%get3A_592] {strides = array<i32>} : memref<128xf32, #tpu.memory_space<vmem>>, vector<16xf32>,
      %get3A_594 = vector.shape_cast %get3A_593 : vector<16xf32> to vector<16xf32>
      %get3A_595 = arith.constant 96 : index
      %get3A_596 = tpu.vector_load %arg12[%get3A_595] {strides = array<i32>} : memref<128xf32, #tpu.memory_space<vmem>>, vector<16xf32>,
      %get3A_597 = vector.shape_cast %get3A_596 : vector<16xf32> to vector<16xf32>
      %sub3A_598 = arith.subf %get3A_594, %get3A_597 : vector<16xf32>
      %get3A_599 = arith.constant 96 : index
      %get3A_600 = tpu.vector_load %arg16[%get3A_599] {strides = array<i32>} : memref<128xf32, #tpu.memory_space<vmem>>, vector<16xf32>,
      %get3A_601 = vector.shape_cast %get3A_600 : vector<16xf32> to vector<16xf32>
      %get3A_602 = arith.constant 96 : index
      %get3A_603 = tpu.vector_load %arg13[%get3A_602] {strides = array<i32>} : memref<128xf32, #tpu.memory_space<vmem>>, vector<16xf32>,
      %get3A_604 = vector.shape_cast %get3A_603 : vector<16xf32> to vector<16xf32>
      %sub3A_605 = arith.subf %get3A_601, %get3A_604 : vector<16xf32>
      %mul3A_606 = arith.mulf %sub3A_591, %sub3A_591 : vector<16xf32>
      %mul3A_607 = arith.mulf %sub3A_598, %sub3A_598 : vector<16xf32>
      %add3A_608 = arith.addf %mul3A_606, %mul3A_607 : vector<16xf32>
      %mul3A_609 = arith.mulf %sub3A_605, %sub3A_605 : vector<16xf32>
      %add3A_610 = arith.addf %add3A_608, %mul3A_609 : vector<16xf32>
      %add3A_611 = arith.constant 9.99999996E-13 : f32
      %add3A_612 = vector.broadcast %add3A_611 : f32 to vector<16xf32>
      %add3A_613 = arith.addf %add3A_610, %add3A_612 : vector<16xf32>
      %bitcast_convert_type3A_614 = tpu.bitcast %add3A_613 : vector<16xf32> -> vector<16xi32>
      %shift_right_arithmetic3A_615 = arith.constant 1 : i32
      %shift_right_arithmetic3A_616 = vector.broadcast %shift_right_arithmetic3A_615 : i32 to vector<16xi32>
      %shift_right_arithmetic3A_617 = arith.shrsi %bitcast_convert_type3A_614, %shift_right_arithmetic3A_616 : vector<16xi32>
      %sub3A_618 = arith.constant 1597463007 : i32
      %sub3A_619 = vector.broadcast %sub3A_618 : i32 to vector<16xi32>
      %sub3A_620 = arith.subi %sub3A_619, %shift_right_arithmetic3A_617 : vector<16xi32>
      %bitcast_convert_type3A_621 = tpu.bitcast %sub3A_620 : vector<16xi32> -> vector<16xf32>
      %mul3A_622 = arith.constant 5.000000e-01 : f32
      %mul3A_623 = vector.broadcast %mul3A_622 : f32 to vector<16xf32>
      %mul3A_624 = arith.mulf %mul3A_623, %add3A_613 : vector<16xf32>
      %mul3A_625 = arith.mulf %mul3A_624, %bitcast_convert_type3A_621 : vector<16xf32>
      %mul3A_626 = arith.mulf %mul3A_625, %bitcast_convert_type3A_621 : vector<16xf32>
      %sub3A_627 = arith.constant 1.500000e+00 : f32
      %sub3A_628 = vector.broadcast %sub3A_627 : f32 to vector<16xf32>
      %sub3A_629 = arith.subf %sub3A_628, %mul3A_626 : vector<16xf32>
      %mul3A_630 = arith.mulf %bitcast_convert_type3A_621, %sub3A_629 : vector<16xf32>
      %mul3A_631 = arith.constant 5.000000e-01 : f32
      %mul3A_632 = vector.broadcast %mul3A_631 : f32 to vector<16xf32>
      %mul3A_633 = arith.mulf %mul3A_632, %add3A_613 : vector<16xf32>
      %mul3A_634 = arith.mulf %mul3A_633, %mul3A_630 : vector<16xf32>
      %mul3A_635 = arith.mulf %mul3A_634, %mul3A_630 : vector<16xf32>
      %sub3A_636 = arith.constant 1.500000e+00 : f32
      %sub3A_637 = vector.broadcast %sub3A_636 : f32 to vector<16xf32>
      %sub3A_638 = arith.subf %sub3A_637, %mul3A_635 : vector<16xf32>
      %mul3A_639 = arith.mulf %mul3A_630, %sub3A_638 : vector<16xf32>
      %mul3A_640 = arith.constant 5.000000e-01 : f32
      %mul3A_641 = vector.broadcast %mul3A_640 : f32 to vector<16xf32>
      %mul3A_642 = arith.mulf %mul3A_641, %add3A_613 : vector<16xf32>
      %mul3A_643 = arith.mulf %mul3A_642, %mul3A_639 : vector<16xf32>
      %mul3A_644 = arith.mulf %mul3A_643, %mul3A_639 : vector<16xf32>
      %sub3A_645 = arith.constant 1.500000e+00 : f32
      %sub3A_646 = vector.broadcast %sub3A_645 : f32 to vector<16xf32>
      %sub3A_647 = arith.subf %sub3A_646, %mul3A_644 : vector<16xf32>
      %mul3A_648 = arith.mulf %mul3A_639, %sub3A_647 : vector<16xf32>
      %mul3A_649 = arith.constant 1.73205078 : f32
      %mul3A_650 = vector.broadcast %mul3A_649 : f32 to vector<16xf32>
      %mul3A_651 = arith.mulf %mul3A_650, %mul3A_648 : vector<16xf32>
      %mul3A_652 = arith.mulf %sub3A_591, %mul3A_651 : vector<16xf32>
      %swap3A_653 = arith.constant 96 : index
      %swap3A_654 = tpu.vector_load %arg17[%swap3A_653] {strides = array<i32>} : memref<128xf32, #tpu.memory_space<vmem>>, vector<16xf32>,
      %swap3A_655 = vector.shape_cast %swap3A_654 : vector<16xf32> to vector<16xf32>
      %swap3A_656 = vector.shape_cast %mul3A_652 : vector<16xf32> to vector<16xf32>
      tpu.vector_store %arg17[%swap3A_653], %swap3A_656 {strides = array<i32>} : memref<128xf32, #tpu.memory_space<vmem>>, vector<16xf32>,
      %mul3A_657 = arith.mulf %sub3A_598, %mul3A_651 : vector<16xf32>
      %swap3A_658 = arith.constant 96 : index
      %swap3A_659 = tpu.vector_load %arg18[%swap3A_658] {strides = array<i32>} : memref<128xf32, #tpu.memory_space<vmem>>, vector<16xf32>,
      %swap3A_660 = vector.shape_cast %swap3A_659 : vector<16xf32> to vector<16xf32>
      %swap3A_661 = vector.shape_cast %mul3A_657 : vector<16xf32> to vector<16xf32>
      tpu.vector_store %arg18[%swap3A_658], %swap3A_661 {strides = array<i32>} : memref<128xf32, #tpu.memory_space<vmem>>, vector<16xf32>,
      %mul3A_662 = arith.mulf %sub3A_605, %mul3A_651 : vector<16xf32>
      %swap3A_663 = arith.constant 96 : index
      %swap3A_664 = tpu.vector_load %arg19[%swap3A_663] {strides = array<i32>} : memref<128xf32, #tpu.memory_space<vmem>>, vector<16xf32>,
      %swap3A_665 = vector.shape_cast %swap3A_664 : vector<16xf32> to vector<16xf32>
      %swap3A_666 = vector.shape_cast %mul3A_662 : vector<16xf32> to vector<16xf32>
      tpu.vector_store %arg19[%swap3A_663], %swap3A_666 {strides = array<i32>} : memref<128xf32, #tpu.memory_space<vmem>>, vector<16xf32>,
      %get3A_667 = arith.constant 112 : index
      %get3A_668 = tpu.vector_load %arg14[%get3A_667] {strides = array<i32>} : memref<128xf32, #tpu.memory_space<vmem>>, vector<16xf32>,
      %get3A_669 = vector.shape_cast %get3A_668 : vector<16xf32> to vector<16xf32>
      %get3A_670 = arith.constant 112 : index
      %get3A_671 = tpu.vector_load %arg11[%get3A_670] {strides = array<i32>} : memref<128xf32, #tpu.memory_space<vmem>>, vector<16xf32>,
      %get3A_672 = vector.shape_cast %get3A_671 : vector<16xf32> to vector<16xf32>
      %sub3A_673 = arith.subf %get3A_669, %get3A_672 : vector<16xf32>
      %get3A_674 = arith.constant 112 : index
      %get3A_675 = tpu.vector_load %arg15[%get3A_674] {strides = array<i32>} : memref<128xf32, #tpu.memory_space<vmem>>, vector<16xf32>,
      %get3A_676 = vector.shape_cast %get3A_675 : vector<16xf32> to vector<16xf32>
      %get3A_677 = arith.constant 112 : index
      %get3A_678 = tpu.vector_load %arg12[%get3A_677] {strides = array<i32>} : memref<128xf32, #tpu.memory_space<vmem>>, vector<16xf32>,
      %get3A_679 = vector.shape_cast %get3A_678 : vector<16xf32> to vector<16xf32>
      %sub3A_680 = arith.subf %get3A_676, %get3A_679 : vector<16xf32>
      %get3A_681 = arith.constant 112 : index
      %get3A_682 = tpu.vector_load %arg16[%get3A_681] {strides = array<i32>} : memref<128xf32, #tpu.memory_space<vmem>>, vector<16xf32>,
      %get3A_683 = vector.shape_cast %get3A_682 : vector<16xf32> to vector<16xf32>
      %get3A_684 = arith.constant 112 : index
      %get3A_685 = tpu.vector_load %arg13[%get3A_684] {strides = array<i32>} : memref<128xf32, #tpu.memory_space<vmem>>, vector<16xf32>,
      %get3A_686 = vector.shape_cast %get3A_685 : vector<16xf32> to vector<16xf32>
      %sub3A_687 = arith.subf %get3A_683, %get3A_686 : vector<16xf32>
      %mul3A_688 = arith.mulf %sub3A_673, %sub3A_673 : vector<16xf32>
      %mul3A_689 = arith.mulf %sub3A_680, %sub3A_680 : vector<16xf32>
      %add3A_690 = arith.addf %mul3A_688, %mul3A_689 : vector<16xf32>
      %mul3A_691 = arith.mulf %sub3A_687, %sub3A_687 : vector<16xf32>
      %add3A_692 = arith.addf %add3A_690, %mul3A_691 : vector<16xf32>
      %add3A_693 = arith.constant 9.99999996E-13 : f32
      %add3A_694 = vector.broadcast %add3A_693 : f32 to vector<16xf32>
      %add3A_695 = arith.addf %add3A_692, %add3A_694 : vector<16xf32>
      %bitcast_convert_type3A_696 = tpu.bitcast %add3A_695 : vector<16xf32> -> vector<16xi32>
      %shift_right_arithmetic3A_697 = arith.constant 1 : i32
      %shift_right_arithmetic3A_698 = vector.broadcast %shift_right_arithmetic3A_697 : i32 to vector<16xi32>
      %shift_right_arithmetic3A_699 = arith.shrsi %bitcast_convert_type3A_696, %shift_right_arithmetic3A_698 : vector<16xi32>
      %sub3A_700 = arith.constant 1597463007 : i32
      %sub3A_701 = vector.broadcast %sub3A_700 : i32 to vector<16xi32>
      %sub3A_702 = arith.subi %sub3A_701, %shift_right_arithmetic3A_699 : vector<16xi32>
      %bitcast_convert_type3A_703 = tpu.bitcast %sub3A_702 : vector<16xi32> -> vector<16xf32>
      %mul3A_704 = arith.constant 5.000000e-01 : f32
      %mul3A_705 = vector.broadcast %mul3A_704 : f32 to vector<16xf32>
      %mul3A_706 = arith.mulf %mul3A_705, %add3A_695 : vector<16xf32>
      %mul3A_707 = arith.mulf %mul3A_706, %bitcast_convert_type3A_703 : vector<16xf32>
      %mul3A_708 = arith.mulf %mul3A_707, %bitcast_convert_type3A_703 : vector<16xf32>
      %sub3A_709 = arith.constant 1.500000e+00 : f32
      %sub3A_710 = vector.broadcast %sub3A_709 : f32 to vector<16xf32>
      %sub3A_711 = arith.subf %sub3A_710, %mul3A_708 : vector<16xf32>
      %mul3A_712 = arith.mulf %bitcast_convert_type3A_703, %sub3A_711 : vector<16xf32>
      %mul3A_713 = arith.constant 5.000000e-01 : f32
      %mul3A_714 = vector.broadcast %mul3A_713 : f32 to vector<16xf32>
      %mul3A_715 = arith.mulf %mul3A_714, %add3A_695 : vector<16xf32>
      %mul3A_716 = arith.mulf %mul3A_715, %mul3A_712 : vector<16xf32>
      %mul3A_717 = arith.mulf %mul3A_716, %mul3A_712 : vector<16xf32>
      %sub3A_718 = arith.constant 1.500000e+00 : f32
      %sub3A_719 = vector.broadcast %sub3A_718 : f32 to vector<16xf32>
      %sub3A_720 = arith.subf %sub3A_719, %mul3A_717 : vector<16xf32>
      %mul3A_721 = arith.mulf %mul3A_712, %sub3A_720 : vector<16xf32>
      %mul3A_722 = arith.constant 5.000000e-01 : f32
      %mul3A_723 = vector.broadcast %mul3A_722 : f32 to vector<16xf32>
      %mul3A_724 = arith.mulf %mul3A_723, %add3A_695 : vector<16xf32>
      %mul3A_725 = arith.mulf %mul3A_724, %mul3A_721 : vector<16xf32>
      %mul3A_726 = arith.mulf %mul3A_725, %mul3A_721 : vector<16xf32>
      %sub3A_727 = arith.constant 1.500000e+00 : f32
      %sub3A_728 = vector.broadcast %sub3A_727 : f32 to vector<16xf32>
      %sub3A_729 = arith.subf %sub3A_728, %mul3A_726 : vector<16xf32>
      %mul3A_730 = arith.mulf %mul3A_721, %sub3A_729 : vector<16xf32>
      %mul3A_731 = arith.constant 1.73205078 : f32
      %mul3A_732 = vector.broadcast %mul3A_731 : f32 to vector<16xf32>
      %mul3A_733 = arith.mulf %mul3A_732, %mul3A_730 : vector<16xf32>
      %mul3A_734 = arith.mulf %sub3A_673, %mul3A_733 : vector<16xf32>
      %swap3A_735 = arith.constant 112 : index
      %swap3A_736 = tpu.vector_load %arg17[%swap3A_735] {strides = array<i32>} : memref<128xf32, #tpu.memory_space<vmem>>, vector<16xf32>,
      %swap3A_737 = vector.shape_cast %swap3A_736 : vector<16xf32> to vector<16xf32>
      %swap3A_738 = vector.shape_cast %mul3A_734 : vector<16xf32> to vector<16xf32>
      tpu.vector_store %arg17[%swap3A_735], %swap3A_738 {strides = array<i32>} : memref<128xf32, #tpu.memory_space<vmem>>, vector<16xf32>,
      %mul3A_739 = arith.mulf %sub3A_680, %mul3A_733 : vector<16xf32>
      %swap3A_740 = arith.constant 112 : index
      %swap3A_741 = tpu.vector_load %arg18[%swap3A_740] {strides = array<i32>} : memref<128xf32, #tpu.memory_space<vmem>>, vector<16xf32>,
      %swap3A_742 = vector.shape_cast %swap3A_741 : vector<16xf32> to vector<16xf32>
      %swap3A_743 = vector.shape_cast %mul3A_739 : vector<16xf32> to vector<16xf32>
      tpu.vector_store %arg18[%swap3A_740], %swap3A_743 {strides = array<i32>} : memref<128xf32, #tpu.memory_space<vmem>>, vector<16xf32>,
      %mul3A_744 = arith.mulf %sub3A_687, %mul3A_733 : vector<16xf32>
      %swap3A_745 = arith.constant 112 : index
      %swap3A_746 = tpu.vector_load %arg19[%swap3A_745] {strides = array<i32>} : memref<128xf32, #tpu.memory_space<vmem>>, vector<16xf32>,
      %swap3A_747 = vector.shape_cast %swap3A_746 : vector<16xf32> to vector<16xf32>
      %swap3A_748 = vector.shape_cast %mul3A_744 : vector<16xf32> to vector<16xf32>
      tpu.vector_store %arg19[%swap3A_745], %swap3A_748 {strides = array<i32>} : memref<128xf32, #tpu.memory_space<vmem>>, vector<16xf32>,
      "tpu.region"() ({
        %run_scoped3A = tpu.sem_alloc : memref<!tpu.dma_semaphore, #tpu.memory_space<semaphore_mem>>
        %dma_start3A_749 = arith.constant 0 : i32
        %dma_start3A_750 = tpu.memref_slice %arg22[%dma_start3A_749] : memref<10240xf32, #tpu.memory_space<vmem_shared>> -> memref<10240xf32, #tpu.memory_space<vmem_shared>>
        tpu.enqueue_indirect_dma source(%arg17 : memref<128xf32, #tpu.memory_space<vmem>>) target(%dma_start3A_750 : memref<10240xf32, #tpu.memory_space<vmem_shared>>) offsets(%arg10 : memref<128xi32, #tpu.memory_space<vmem>>) semaphore(%run_scoped3A : memref<!tpu.dma_semaphore, #tpu.memory_space<semaphore_mem>>) {add = true}
        %dma_wait3A_751 = arith.constant 0 : i32
        %dma_wait3A_752 = tpu.memref_slice %arg22[%dma_wait3A_751] : memref<10240xf32, #tpu.memory_space<vmem_shared>> -> memref<10240xf32, #tpu.memory_space<vmem_shared>>
        tpu.wait_indirect_dma semaphore(%run_scoped3A : memref<!tpu.dma_semaphore, #tpu.memory_space<semaphore_mem>>) src(%arg17 : memref<128xf32, #tpu.memory_space<vmem>>) dst(%dma_wait3A_752 : memref<10240xf32, #tpu.memory_space<vmem_shared>>)
        tpu.yield
      }) : () -> ()
      "tpu.region"() ({
        %run_scoped3A = tpu.sem_alloc : memref<!tpu.dma_semaphore, #tpu.memory_space<semaphore_mem>>
        %dma_start3A_749 = arith.constant 0 : i32
        %dma_start3A_750 = tpu.memref_slice %arg23[%dma_start3A_749] : memref<10240xf32, #tpu.memory_space<vmem_shared>> -> memref<10240xf32, #tpu.memory_space<vmem_shared>>
        tpu.enqueue_indirect_dma source(%arg18 : memref<128xf32, #tpu.memory_space<vmem>>) target(%dma_start3A_750 : memref<10240xf32, #tpu.memory_space<vmem_shared>>) offsets(%arg10 : memref<128xi32, #tpu.memory_space<vmem>>) semaphore(%run_scoped3A : memref<!tpu.dma_semaphore, #tpu.memory_space<semaphore_mem>>) {add = true}
        %dma_wait3A_751 = arith.constant 0 : i32
        %dma_wait3A_752 = tpu.memref_slice %arg23[%dma_wait3A_751] : memref<10240xf32, #tpu.memory_space<vmem_shared>> -> memref<10240xf32, #tpu.memory_space<vmem_shared>>
        tpu.wait_indirect_dma semaphore(%run_scoped3A : memref<!tpu.dma_semaphore, #tpu.memory_space<semaphore_mem>>) src(%arg18 : memref<128xf32, #tpu.memory_space<vmem>>) dst(%dma_wait3A_752 : memref<10240xf32, #tpu.memory_space<vmem_shared>>)
        tpu.yield
      }) : () -> ()
      "tpu.region"() ({
        %run_scoped3A = tpu.sem_alloc : memref<!tpu.dma_semaphore, #tpu.memory_space<semaphore_mem>>
        %dma_start3A_749 = arith.constant 0 : i32
        %dma_start3A_750 = tpu.memref_slice %arg24[%dma_start3A_749] : memref<10240xf32, #tpu.memory_space<vmem_shared>> -> memref<10240xf32, #tpu.memory_space<vmem_shared>>
        tpu.enqueue_indirect_dma source(%arg19 : memref<128xf32, #tpu.memory_space<vmem>>) target(%dma_start3A_750 : memref<10240xf32, #tpu.memory_space<vmem_shared>>) offsets(%arg10 : memref<128xi32, #tpu.memory_space<vmem>>) semaphore(%run_scoped3A : memref<!tpu.dma_semaphore, #tpu.memory_space<semaphore_mem>>) {add = true}
        %dma_wait3A_751 = arith.constant 0 : i32
        %dma_wait3A_752 = tpu.memref_slice %arg24[%dma_wait3A_751] : memref<10240xf32, #tpu.memory_space<vmem_shared>> -> memref<10240xf32, #tpu.memory_space<vmem_shared>>
        tpu.wait_indirect_dma semaphore(%run_scoped3A : memref<!tpu.dma_semaphore, #tpu.memory_space<semaphore_mem>>) src(%arg19 : memref<128xf32, #tpu.memory_space<vmem>>) dst(%dma_wait3A_752 : memref<10240xf32, #tpu.memory_space<vmem_shared>>)
        tpu.yield
      }) : () -> ()
      "tpu.region"() ({
        %run_scoped3A = tpu.sem_alloc : memref<!tpu.dma_semaphore, #tpu.memory_space<semaphore_mem>>
        %dma_start3A_749 = arith.constant 0 : i32
        %dma_start3A_750 = tpu.memref_slice %arg25[%dma_start3A_749] : memref<10240xf32, #tpu.memory_space<vmem_shared>> -> memref<10240xf32, #tpu.memory_space<vmem_shared>>
        tpu.enqueue_indirect_dma source(%arg20 : memref<128xf32, #tpu.memory_space<vmem>>) target(%dma_start3A_750 : memref<10240xf32, #tpu.memory_space<vmem_shared>>) offsets(%arg10 : memref<128xi32, #tpu.memory_space<vmem>>) semaphore(%run_scoped3A : memref<!tpu.dma_semaphore, #tpu.memory_space<semaphore_mem>>) {add = true}
        %dma_wait3A_751 = arith.constant 0 : i32
        %dma_wait3A_752 = tpu.memref_slice %arg25[%dma_wait3A_751] : memref<10240xf32, #tpu.memory_space<vmem_shared>> -> memref<10240xf32, #tpu.memory_space<vmem_shared>>
        tpu.wait_indirect_dma semaphore(%run_scoped3A : memref<!tpu.dma_semaphore, #tpu.memory_space<semaphore_mem>>) src(%arg20 : memref<128xf32, #tpu.memory_space<vmem>>) dst(%dma_wait3A_752 : memref<10240xf32, #tpu.memory_space<vmem_shared>>)
        tpu.yield
      }) : () -> ()
    }
    %scan3A_41 = arith.constant 40 : i32
    %barrier3A_42 = arith.constant 0 : index
    tpu.barrier barrier_id(%barrier3A_42)
    %mul3A_43 = arith.constant 4 : i32
    %mul3A_44 = arith.muli %arg0, %mul3A_43 : i32
    %add3A_45 = arith.constant 0 : i32
    %add3A_46 = arith.addi %mul3A_44, %add3A_45 : i32
    %mul3A_47 = arith.constant 10240 : i32
    %mul3A_48 = arith.muli %add3A_46, %mul3A_47 : i32
    %add3A_49 = arith.addi %mul3A_48, %mul3A_2 : i32
    "tpu.region"() ({
      %run_scoped3A = tpu.sem_alloc : memref<!tpu.dma_semaphore, #tpu.memory_space<semaphore_mem>>
      %dma_start3A = tpu.memref_slice %arg8[%add3A_49] : memref<81920xf32, #tpu.memory_space<hbm>> -> memref<640xf32, #tpu.memory_space<hbm>>
      %dma_start3A_71 = tpu.memref_slice %arg22[%mul3A_2] : memref<10240xf32, #tpu.memory_space<vmem_shared>> -> memref<640xf32, #tpu.memory_space<vmem_shared>>
      tpu.enqueue_dma source(%dma_start3A_71 : memref<640xf32, #tpu.memory_space<vmem_shared>>) target(%dma_start3A : memref<640xf32, #tpu.memory_space<hbm>>) target_semaphore(%run_scoped3A : memref<!tpu.dma_semaphore, #tpu.memory_space<semaphore_mem>>)
      %dma_wait3A = tpu.memref_slice %arg8[%add3A_49] : memref<81920xf32, #tpu.memory_space<hbm>> -> memref<640xf32, #tpu.memory_space<hbm>>
      %dma_wait3A_72 = tpu.memref_slice %arg22[%mul3A_2] : memref<10240xf32, #tpu.memory_space<vmem_shared>> -> memref<640xf32, #tpu.memory_space<vmem_shared>>
      tpu.wait_dma2 semaphore(%run_scoped3A : memref<!tpu.dma_semaphore, #tpu.memory_space<semaphore_mem>>) src(%dma_wait3A_72 : memref<640xf32, #tpu.memory_space<vmem_shared>>) dst(%dma_wait3A : memref<640xf32, #tpu.memory_space<hbm>>)
      tpu.yield
    }) : () -> ()
    %mul3A_50 = arith.constant 4 : i32
    %mul3A_51 = arith.muli %arg0, %mul3A_50 : i32
    %add3A_52 = arith.constant 1 : i32
    %add3A_53 = arith.addi %mul3A_51, %add3A_52 : i32
    %mul3A_54 = arith.constant 10240 : i32
    %mul3A_55 = arith.muli %add3A_53, %mul3A_54 : i32
    %add3A_56 = arith.addi %mul3A_55, %mul3A_2 : i32
    "tpu.region"() ({
      %run_scoped3A = tpu.sem_alloc : memref<!tpu.dma_semaphore, #tpu.memory_space<semaphore_mem>>
      %dma_start3A = tpu.memref_slice %arg8[%add3A_56] : memref<81920xf32, #tpu.memory_space<hbm>> -> memref<640xf32, #tpu.memory_space<hbm>>
      %dma_start3A_71 = tpu.memref_slice %arg23[%mul3A_2] : memref<10240xf32, #tpu.memory_space<vmem_shared>> -> memref<640xf32, #tpu.memory_space<vmem_shared>>
      tpu.enqueue_dma source(%dma_start3A_71 : memref<640xf32, #tpu.memory_space<vmem_shared>>) target(%dma_start3A : memref<640xf32, #tpu.memory_space<hbm>>) target_semaphore(%run_scoped3A : memref<!tpu.dma_semaphore, #tpu.memory_space<semaphore_mem>>)
      %dma_wait3A = tpu.memref_slice %arg8[%add3A_56] : memref<81920xf32, #tpu.memory_space<hbm>> -> memref<640xf32, #tpu.memory_space<hbm>>
      %dma_wait3A_72 = tpu.memref_slice %arg23[%mul3A_2] : memref<10240xf32, #tpu.memory_space<vmem_shared>> -> memref<640xf32, #tpu.memory_space<vmem_shared>>
      tpu.wait_dma2 semaphore(%run_scoped3A : memref<!tpu.dma_semaphore, #tpu.memory_space<semaphore_mem>>) src(%dma_wait3A_72 : memref<640xf32, #tpu.memory_space<vmem_shared>>) dst(%dma_wait3A : memref<640xf32, #tpu.memory_space<hbm>>)
      tpu.yield
    }) : () -> ()
    %mul3A_57 = arith.constant 4 : i32
    %mul3A_58 = arith.muli %arg0, %mul3A_57 : i32
    %add3A_59 = arith.constant 2 : i32
    %add3A_60 = arith.addi %mul3A_58, %add3A_59 : i32
    %mul3A_61 = arith.constant 10240 : i32
    %mul3A_62 = arith.muli %add3A_60, %mul3A_61 : i32
    %add3A_63 = arith.addi %mul3A_62, %mul3A_2 : i32
    "tpu.region"() ({
      %run_scoped3A = tpu.sem_alloc : memref<!tpu.dma_semaphore, #tpu.memory_space<semaphore_mem>>
      %dma_start3A = tpu.memref_slice %arg8[%add3A_63] : memref<81920xf32, #tpu.memory_space<hbm>> -> memref<640xf32, #tpu.memory_space<hbm>>
      %dma_start3A_71 = tpu.memref_slice %arg24[%mul3A_2] : memref<10240xf32, #tpu.memory_space<vmem_shared>> -> memref<640xf32, #tpu.memory_space<vmem_shared>>
      tpu.enqueue_dma source(%dma_start3A_71 : memref<640xf32, #tpu.memory_space<vmem_shared>>) target(%dma_start3A : memref<640xf32, #tpu.memory_space<hbm>>) target_semaphore(%run_scoped3A : memref<!tpu.dma_semaphore, #tpu.memory_space<semaphore_mem>>)
      %dma_wait3A = tpu.memref_slice %arg8[%add3A_63] : memref<81920xf32, #tpu.memory_space<hbm>> -> memref<640xf32, #tpu.memory_space<hbm>>
      %dma_wait3A_72 = tpu.memref_slice %arg24[%mul3A_2] : memref<10240xf32, #tpu.memory_space<vmem_shared>> -> memref<640xf32, #tpu.memory_space<vmem_shared>>
      tpu.wait_dma2 semaphore(%run_scoped3A : memref<!tpu.dma_semaphore, #tpu.memory_space<semaphore_mem>>) src(%dma_wait3A_72 : memref<640xf32, #tpu.memory_space<vmem_shared>>) dst(%dma_wait3A : memref<640xf32, #tpu.memory_space<hbm>>)
      tpu.yield
    }) : () -> ()
    %mul3A_64 = arith.constant 4 : i32
    %mul3A_65 = arith.muli %arg0, %mul3A_64 : i32
    %add3A_66 = arith.constant 3 : i32
    %add3A_67 = arith.addi %mul3A_65, %add3A_66 : i32
    %mul3A_68 = arith.constant 10240 : i32
    %mul3A_69 = arith.muli %add3A_67, %mul3A_68 : i32
    %add3A_70 = arith.addi %mul3A_69, %mul3A_2 : i32
    "tpu.region"() ({
      %run_scoped3A = tpu.sem_alloc : memref<!tpu.dma_semaphore, #tpu.memory_space<semaphore_mem>>
      %dma_start3A = tpu.memref_slice %arg8[%add3A_70] : memref<81920xf32, #tpu.memory_space<hbm>> -> memref<640xf32, #tpu.memory_space<hbm>>
      %dma_start3A_71 = tpu.memref_slice %arg25[%mul3A_2] : memref<10240xf32, #tpu.memory_space<vmem_shared>> -> memref<640xf32, #tpu.memory_space<vmem_shared>>
      tpu.enqueue_dma source(%dma_start3A_71 : memref<640xf32, #tpu.memory_space<vmem_shared>>) target(%dma_start3A : memref<640xf32, #tpu.memory_space<hbm>>) target_semaphore(%run_scoped3A : memref<!tpu.dma_semaphore, #tpu.memory_space<semaphore_mem>>)
      %dma_wait3A = tpu.memref_slice %arg8[%add3A_70] : memref<81920xf32, #tpu.memory_space<hbm>> -> memref<640xf32, #tpu.memory_space<hbm>>
      %dma_wait3A_72 = tpu.memref_slice %arg25[%mul3A_2] : memref<10240xf32, #tpu.memory_space<vmem_shared>> -> memref<640xf32, #tpu.memory_space<vmem_shared>>
      tpu.wait_dma2 semaphore(%run_scoped3A : memref<!tpu.dma_semaphore, #tpu.memory_space<semaphore_mem>>) src(%dma_wait3A_72 : memref<640xf32, #tpu.memory_space<vmem_shared>>) dst(%dma_wait3A : memref<640xf32, #tpu.memory_space<hbm>>)
      tpu.yield
    }) : () -> ()
    return
  }
}

module attributes {stable_mosaic.version = 14 : i64} {
  func.func @_tc_node_body(%arg0: memref<2x4x10240xf32, #tpu.memory_space<vmem>>, %arg1: memref<5x1xf32, #tpu.memory_space<vmem>>, %arg2: memref<15x1xf32, #tpu.memory_space<vmem>>, %arg3: memref<5x10x1xf32, #tpu.memory_space<vmem>>, %arg4: memref<10x1xf32, #tpu.memory_space<vmem>>, %arg5: memref<10x5x1xf32, #tpu.memory_space<vmem>>, %arg6: memref<10x15x1xf32, #tpu.memory_space<vmem>>, %arg7: memref<5x1xf32, #tpu.memory_space<vmem>>, %arg8: memref<5x10x1xf32, #tpu.memory_space<vmem>>, %arg9: memref<10x1xf32, #tpu.memory_space<vmem>>, %arg10: memref<10x5x1xf32, #tpu.memory_space<vmem>>, %arg11: memref<5x1xf32, #tpu.memory_space<vmem>>, %arg12: memref<5x10x1xf32, #tpu.memory_space<vmem>>, %arg13: memref<10x1xf32, #tpu.memory_space<vmem>>, %arg14: memref<10x10240xf32, #tpu.memory_space<vmem>>) attributes {dimension_semantics = [], scalar_prefetch = 0 : i64, scratch_operands = 0 : i64, tpu.core_type = #tpu.core_type<tc>} {
    %get3A = arith.constant 0 : index
    %get3A_0 = arith.constant 0 : index
    %get3A_1 = arith.constant 0 : index
    %get3A_2 = vector.load %arg0[%get3A, %get3A_0, %get3A_1] : memref<2x4x10240xf32, #tpu.memory_space<vmem>>, vector<1x4x10240xf32>
    %get3A_3 = vector.shape_cast %get3A_2 : vector<1x4x10240xf32> to vector<4x10240xf32>
    %get3A_4 = arith.constant 1 : index
    %get3A_5 = arith.constant 0 : index
    %get3A_6 = arith.constant 0 : index
    %get3A_7 = vector.load %arg0[%get3A_4, %get3A_5, %get3A_6] : memref<2x4x10240xf32, #tpu.memory_space<vmem>>, vector<1x4x10240xf32>
    %get3A_8 = vector.shape_cast %get3A_7 : vector<1x4x10240xf32> to vector<4x10240xf32>
    %add3A = arith.addf %get3A_3, %get3A_8 : vector<4x10240xf32>
    %slice3A = vector.extract_strided_slice %add3A {offsets = [0, 0], sizes = [3, 10240], strides = [1, 1]} : vector<4x10240xf32> to vector<3x10240xf32>
    %slice3A_9 = vector.extract_strided_slice %add3A {offsets = [3, 0], sizes = [1, 10240], strides = [1, 1]} : vector<4x10240xf32> to vector<1x10240xf32>
    %gt3A = arith.constant 0.000000e+00 : f32
    %gt3A_10 = vector.broadcast %gt3A : f32 to vector<1x10240xf32>
    %gt3A_11 = arith.cmpf ogt, %slice3A_9, %gt3A_10 : vector<1x10240xf32>
    %jit3A = arith.constant 1.000000e+00 : f32
    %jit3A_12 = arith.constant 0.000000e+00 : f32
    %broadcast_in_dim3A = vector.broadcast %jit3A : f32 to vector<1x10240xf32>
    %broadcast_in_dim3A_13 = vector.broadcast %jit3A_12 : f32 to vector<1x10240xf32>
    %select_n3A = arith.select %gt3A_11, %broadcast_in_dim3A, %broadcast_in_dim3A_13 : vector<1x10240xi1>, vector<1x10240xf32>
    %max3A = arith.constant 1.000000e+00 : f32
    %max3A_14 = vector.broadcast %max3A : f32 to vector<1x10240xf32>
    %max3A_15 = arith.maximumf %slice3A_9, %max3A_14 : vector<1x10240xf32>
    %div3A = vector.broadcast %max3A_15 : vector<1x10240xf32> to vector<3x10240xf32>
    %div3A_16 = arith.divf %slice3A, %div3A : vector<3x10240xf32>
    %concatenate3A = tpu.concatenate %div3A_16, %div3A_16, %div3A_16, %div3A_16, %div3A_16 in 0 : vector<3x10240xf32>, vector<3x10240xf32>, vector<3x10240xf32>, vector<3x10240xf32>, vector<3x10240xf32> -> vector<15x10240xf32>
    %get3A_17 = arith.constant 0 : index
    %get3A_18 = arith.constant 0 : index
    %get3A_19 = vector.load %arg1[%get3A_17, %get3A_18] : memref<5x1xf32, #tpu.memory_space<vmem>>, vector<5x1xf32>
    %mul3A = vector.broadcast %get3A_19 : vector<5x1xf32> to vector<5x10240xf32>
    %mul3A_20 = vector.broadcast %select_n3A : vector<1x10240xf32> to vector<5x10240xf32>
    %mul3A_21 = arith.mulf %mul3A, %mul3A_20 : vector<5x10240xf32>
    %get3A_22 = arith.constant 0 : index
    %get3A_23 = arith.constant 0 : index
    %get3A_24 = vector.load %arg2[%get3A_22, %get3A_23] : memref<15x1xf32, #tpu.memory_space<vmem>>, vector<15x1xf32>
    %mul3A_25 = vector.broadcast %get3A_24 : vector<15x1xf32> to vector<15x10240xf32>
    %mul3A_26 = arith.mulf %mul3A_25, %concatenate3A : vector<15x10240xf32>
    %get3A_27 = arith.constant 0 : index
    %get3A_28 = arith.constant 0 : index
    %get3A_29 = arith.constant 0 : index
    %get3A_30 = vector.load %arg3[%get3A_27, %get3A_28, %get3A_29] : memref<5x10x1xf32, #tpu.memory_space<vmem>>, vector<1x10x1xf32>
    %get3A_31 = vector.shape_cast %get3A_30 : vector<1x10x1xf32> to vector<10x1xf32>
    %slice3A_32 = vector.extract_strided_slice %mul3A_21 {offsets = [0, 0], sizes = [1, 10240], strides = [1, 1]} : vector<5x10240xf32> to vector<1x10240xf32>
    %mul3A_33 = vector.broadcast %get3A_31 : vector<10x1xf32> to vector<10x10240xf32>
    %mul3A_34 = vector.broadcast %slice3A_32 : vector<1x10240xf32> to vector<10x10240xf32>
    %mul3A_35 = arith.mulf %mul3A_33, %mul3A_34 : vector<10x10240xf32>
    %get3A_36 = arith.constant 1 : index
    %get3A_37 = arith.constant 0 : index
    %get3A_38 = arith.constant 0 : index
    %get3A_39 = vector.load %arg3[%get3A_36, %get3A_37, %get3A_38] : memref<5x10x1xf32, #tpu.memory_space<vmem>>, vector<1x10x1xf32>
    %get3A_40 = vector.shape_cast %get3A_39 : vector<1x10x1xf32> to vector<10x1xf32>
    %slice3A_41 = vector.extract_strided_slice %mul3A_21 {offsets = [1, 0], sizes = [1, 10240], strides = [1, 1]} : vector<5x10240xf32> to vector<1x10240xf32>
    %mul3A_42 = vector.broadcast %get3A_40 : vector<10x1xf32> to vector<10x10240xf32>
    %mul3A_43 = vector.broadcast %slice3A_41 : vector<1x10240xf32> to vector<10x10240xf32>
    %mul3A_44 = arith.mulf %mul3A_42, %mul3A_43 : vector<10x10240xf32>
    %add3A_45 = arith.addf %mul3A_35, %mul3A_44 : vector<10x10240xf32>
    %get3A_46 = arith.constant 2 : index
    %get3A_47 = arith.constant 0 : index
    %get3A_48 = arith.constant 0 : index
    %get3A_49 = vector.load %arg3[%get3A_46, %get3A_47, %get3A_48] : memref<5x10x1xf32, #tpu.memory_space<vmem>>, vector<1x10x1xf32>
    %get3A_50 = vector.shape_cast %get3A_49 : vector<1x10x1xf32> to vector<10x1xf32>
    %slice3A_51 = vector.extract_strided_slice %mul3A_21 {offsets = [2, 0], sizes = [1, 10240], strides = [1, 1]} : vector<5x10240xf32> to vector<1x10240xf32>
    %mul3A_52 = vector.broadcast %get3A_50 : vector<10x1xf32> to vector<10x10240xf32>
    %mul3A_53 = vector.broadcast %slice3A_51 : vector<1x10240xf32> to vector<10x10240xf32>
    %mul3A_54 = arith.mulf %mul3A_52, %mul3A_53 : vector<10x10240xf32>
    %add3A_55 = arith.addf %add3A_45, %mul3A_54 : vector<10x10240xf32>
    %get3A_56 = arith.constant 3 : index
    %get3A_57 = arith.constant 0 : index
    %get3A_58 = arith.constant 0 : index
    %get3A_59 = vector.load %arg3[%get3A_56, %get3A_57, %get3A_58] : memref<5x10x1xf32, #tpu.memory_space<vmem>>, vector<1x10x1xf32>
    %get3A_60 = vector.shape_cast %get3A_59 : vector<1x10x1xf32> to vector<10x1xf32>
    %slice3A_61 = vector.extract_strided_slice %mul3A_21 {offsets = [3, 0], sizes = [1, 10240], strides = [1, 1]} : vector<5x10240xf32> to vector<1x10240xf32>
    %mul3A_62 = vector.broadcast %get3A_60 : vector<10x1xf32> to vector<10x10240xf32>
    %mul3A_63 = vector.broadcast %slice3A_61 : vector<1x10240xf32> to vector<10x10240xf32>
    %mul3A_64 = arith.mulf %mul3A_62, %mul3A_63 : vector<10x10240xf32>
    %add3A_65 = arith.addf %add3A_55, %mul3A_64 : vector<10x10240xf32>
    %get3A_66 = arith.constant 4 : index
    %get3A_67 = arith.constant 0 : index
    %get3A_68 = arith.constant 0 : index
    %get3A_69 = vector.load %arg3[%get3A_66, %get3A_67, %get3A_68] : memref<5x10x1xf32, #tpu.memory_space<vmem>>, vector<1x10x1xf32>
    %get3A_70 = vector.shape_cast %get3A_69 : vector<1x10x1xf32> to vector<10x1xf32>
    %slice3A_71 = vector.extract_strided_slice %mul3A_21 {offsets = [4, 0], sizes = [1, 10240], strides = [1, 1]} : vector<5x10240xf32> to vector<1x10240xf32>
    %mul3A_72 = vector.broadcast %get3A_70 : vector<10x1xf32> to vector<10x10240xf32>
    %mul3A_73 = vector.broadcast %slice3A_71 : vector<1x10240xf32> to vector<10x10240xf32>
    %mul3A_74 = arith.mulf %mul3A_72, %mul3A_73 : vector<10x10240xf32>
    %add3A_75 = arith.addf %add3A_65, %mul3A_74 : vector<10x10240xf32>
    %get3A_76 = arith.constant 0 : index
    %get3A_77 = arith.constant 0 : index
    %get3A_78 = vector.load %arg4[%get3A_76, %get3A_77] : memref<10x1xf32, #tpu.memory_space<vmem>>, vector<10x1xf32>
    %add3A_79 = vector.broadcast %get3A_78 : vector<10x1xf32> to vector<10x10240xf32>
    %add3A_80 = arith.addf %add3A_75, %add3A_79 : vector<10x10240xf32>
    %mul3A_81 = arith.constant 5.000000e-01 : f32
    %mul3A_82 = vector.broadcast %mul3A_81 : f32 to vector<10x10240xf32>
    %mul3A_83 = arith.mulf %mul3A_82, %add3A_80 : vector<10x10240xf32>
    %mul3A_84 = arith.constant 0.707106769 : f32
    %mul3A_85 = vector.broadcast %mul3A_84 : f32 to vector<10x10240xf32>
    %mul3A_86 = arith.mulf %add3A_80, %mul3A_85 : vector<10x10240xf32>
    %erf3A = math.erf %mul3A_86 : vector<10x10240xf32>
    %add3A_87 = arith.constant 1.000000e+00 : f32
    %add3A_88 = vector.broadcast %add3A_87 : f32 to vector<10x10240xf32>
    %add3A_89 = arith.addf %add3A_88, %erf3A : vector<10x10240xf32>
    %mul3A_90 = arith.mulf %mul3A_83, %add3A_89 : vector<10x10240xf32>
    %slice3A_91 = vector.extract_strided_slice %mul3A_90 {offsets = [0, 0], sizes = [5, 10240], strides = [1, 1]} : vector<10x10240xf32> to vector<5x10240xf32>
    %mul3A_92 = arith.mulf %slice3A_91, %mul3A_21 : vector<5x10240xf32>
    %slice3A_93 = vector.extract_strided_slice %mul3A_90 {offsets = [5, 0], sizes = [5, 10240], strides = [1, 1]} : vector<10x10240xf32> to vector<5x10240xf32>
    %slice3A_94 = vector.extract_strided_slice %slice3A_93 {offsets = [0, 0], sizes = [1, 10240], strides = [1, 1]} : vector<5x10240xf32> to vector<1x10240xf32>
    %slice3A_95 = vector.extract_strided_slice %slice3A_93 {offsets = [0, 0], sizes = [1, 10240], strides = [1, 1]} : vector<5x10240xf32> to vector<1x10240xf32>
    %slice3A_96 = vector.extract_strided_slice %slice3A_93 {offsets = [0, 0], sizes = [1, 10240], strides = [1, 1]} : vector<5x10240xf32> to vector<1x10240xf32>
    %slice3A_97 = vector.extract_strided_slice %slice3A_93 {offsets = [1, 0], sizes = [1, 10240], strides = [1, 1]} : vector<5x10240xf32> to vector<1x10240xf32>
    %slice3A_98 = vector.extract_strided_slice %slice3A_93 {offsets = [1, 0], sizes = [1, 10240], strides = [1, 1]} : vector<5x10240xf32> to vector<1x10240xf32>
    %slice3A_99 = vector.extract_strided_slice %slice3A_93 {offsets = [1, 0], sizes = [1, 10240], strides = [1, 1]} : vector<5x10240xf32> to vector<1x10240xf32>
    %slice3A_100 = vector.extract_strided_slice %slice3A_93 {offsets = [2, 0], sizes = [1, 10240], strides = [1, 1]} : vector<5x10240xf32> to vector<1x10240xf32>
    %slice3A_101 = vector.extract_strided_slice %slice3A_93 {offsets = [2, 0], sizes = [1, 10240], strides = [1, 1]} : vector<5x10240xf32> to vector<1x10240xf32>
    %slice3A_102 = vector.extract_strided_slice %slice3A_93 {offsets = [2, 0], sizes = [1, 10240], strides = [1, 1]} : vector<5x10240xf32> to vector<1x10240xf32>
    %slice3A_103 = vector.extract_strided_slice %slice3A_93 {offsets = [3, 0], sizes = [1, 10240], strides = [1, 1]} : vector<5x10240xf32> to vector<1x10240xf32>
    %slice3A_104 = vector.extract_strided_slice %slice3A_93 {offsets = [3, 0], sizes = [1, 10240], strides = [1, 1]} : vector<5x10240xf32> to vector<1x10240xf32>
    %slice3A_105 = vector.extract_strided_slice %slice3A_93 {offsets = [3, 0], sizes = [1, 10240], strides = [1, 1]} : vector<5x10240xf32> to vector<1x10240xf32>
    %slice3A_106 = vector.extract_strided_slice %slice3A_93 {offsets = [4, 0], sizes = [1, 10240], strides = [1, 1]} : vector<5x10240xf32> to vector<1x10240xf32>
    %slice3A_107 = vector.extract_strided_slice %slice3A_93 {offsets = [4, 0], sizes = [1, 10240], strides = [1, 1]} : vector<5x10240xf32> to vector<1x10240xf32>
    %slice3A_108 = vector.extract_strided_slice %slice3A_93 {offsets = [4, 0], sizes = [1, 10240], strides = [1, 1]} : vector<5x10240xf32> to vector<1x10240xf32>
    %concatenate3A_109 = tpu.concatenate %slice3A_94, %slice3A_95, %slice3A_96, %slice3A_97, %slice3A_98, %slice3A_99, %slice3A_100, %slice3A_101, %slice3A_102, %slice3A_103, %slice3A_104, %slice3A_105, %slice3A_106, %slice3A_107, %slice3A_108 in 0 : vector<1x10240xf32>, vector<1x10240xf32>, vector<1x10240xf32>, vector<1x10240xf32>, vector<1x10240xf32>, vector<1x10240xf32>, vector<1x10240xf32>, vector<1x10240xf32>, vector<1x10240xf32>, vector<1x10240xf32>, vector<1x10240xf32>, vector<1x10240xf32>, vector<1x10240xf32>, vector<1x10240xf32>, vector<1x10240xf32> -> vector<15x10240xf32>
    %mul3A_110 = arith.mulf %concatenate3A_109, %mul3A_26 : vector<15x10240xf32>
    %mul3A_111 = arith.mulf %mul3A_110, %concatenate3A : vector<15x10240xf32>
    %slice3A_112 = vector.extract_strided_slice %mul3A_111 {offsets = [0, 0], sizes = [1, 10240], strides = [1, 1]} : vector<15x10240xf32> to vector<1x10240xf32>
    %slice3A_113 = vector.extract_strided_slice %mul3A_111 {offsets = [1, 0], sizes = [1, 10240], strides = [1, 1]} : vector<15x10240xf32> to vector<1x10240xf32>
    %add3A_114 = arith.addf %slice3A_112, %slice3A_113 : vector<1x10240xf32>
    %slice3A_115 = vector.extract_strided_slice %mul3A_111 {offsets = [2, 0], sizes = [1, 10240], strides = [1, 1]} : vector<15x10240xf32> to vector<1x10240xf32>
    %add3A_116 = arith.addf %add3A_114, %slice3A_115 : vector<1x10240xf32>
    %slice3A_117 = vector.extract_strided_slice %mul3A_111 {offsets = [3, 0], sizes = [1, 10240], strides = [1, 1]} : vector<15x10240xf32> to vector<1x10240xf32>
    %slice3A_118 = vector.extract_strided_slice %mul3A_111 {offsets = [4, 0], sizes = [1, 10240], strides = [1, 1]} : vector<15x10240xf32> to vector<1x10240xf32>
    %add3A_119 = arith.addf %slice3A_117, %slice3A_118 : vector<1x10240xf32>
    %slice3A_120 = vector.extract_strided_slice %mul3A_111 {offsets = [5, 0], sizes = [1, 10240], strides = [1, 1]} : vector<15x10240xf32> to vector<1x10240xf32>
    %add3A_121 = arith.addf %add3A_119, %slice3A_120 : vector<1x10240xf32>
    %slice3A_122 = vector.extract_strided_slice %mul3A_111 {offsets = [6, 0], sizes = [1, 10240], strides = [1, 1]} : vector<15x10240xf32> to vector<1x10240xf32>
    %slice3A_123 = vector.extract_strided_slice %mul3A_111 {offsets = [7, 0], sizes = [1, 10240], strides = [1, 1]} : vector<15x10240xf32> to vector<1x10240xf32>
    %add3A_124 = arith.addf %slice3A_122, %slice3A_123 : vector<1x10240xf32>
    %slice3A_125 = vector.extract_strided_slice %mul3A_111 {offsets = [8, 0], sizes = [1, 10240], strides = [1, 1]} : vector<15x10240xf32> to vector<1x10240xf32>
    %add3A_126 = arith.addf %add3A_124, %slice3A_125 : vector<1x10240xf32>
    %slice3A_127 = vector.extract_strided_slice %mul3A_111 {offsets = [9, 0], sizes = [1, 10240], strides = [1, 1]} : vector<15x10240xf32> to vector<1x10240xf32>
    %slice3A_128 = vector.extract_strided_slice %mul3A_111 {offsets = [10, 0], sizes = [1, 10240], strides = [1, 1]} : vector<15x10240xf32> to vector<1x10240xf32>
    %add3A_129 = arith.addf %slice3A_127, %slice3A_128 : vector<1x10240xf32>
    %slice3A_130 = vector.extract_strided_slice %mul3A_111 {offsets = [11, 0], sizes = [1, 10240], strides = [1, 1]} : vector<15x10240xf32> to vector<1x10240xf32>
    %add3A_131 = arith.addf %add3A_129, %slice3A_130 : vector<1x10240xf32>
    %slice3A_132 = vector.extract_strided_slice %mul3A_111 {offsets = [12, 0], sizes = [1, 10240], strides = [1, 1]} : vector<15x10240xf32> to vector<1x10240xf32>
    %slice3A_133 = vector.extract_strided_slice %mul3A_111 {offsets = [13, 0], sizes = [1, 10240], strides = [1, 1]} : vector<15x10240xf32> to vector<1x10240xf32>
    %add3A_134 = arith.addf %slice3A_132, %slice3A_133 : vector<1x10240xf32>
    %slice3A_135 = vector.extract_strided_slice %mul3A_111 {offsets = [14, 0], sizes = [1, 10240], strides = [1, 1]} : vector<15x10240xf32> to vector<1x10240xf32>
    %add3A_136 = arith.addf %add3A_134, %slice3A_135 : vector<1x10240xf32>
    %concatenate3A_137 = tpu.concatenate %add3A_116, %add3A_121, %add3A_126, %add3A_131, %add3A_136 in 0 : vector<1x10240xf32>, vector<1x10240xf32>, vector<1x10240xf32>, vector<1x10240xf32>, vector<1x10240xf32> -> vector<5x10240xf32>
    %mul3A_138 = arith.constant 0.577350259 : f32
    %mul3A_139 = vector.broadcast %mul3A_138 : f32 to vector<5x10240xf32>
    %mul3A_140 = arith.mulf %concatenate3A_137, %mul3A_139 : vector<5x10240xf32>
    %concatenate3A_141 = tpu.concatenate %mul3A_92, %mul3A_140 in 0 : vector<5x10240xf32>, vector<5x10240xf32> -> vector<10x10240xf32>
    %get3A_142 = arith.constant 0 : index
    %get3A_143 = arith.constant 0 : index
    %get3A_144 = arith.constant 0 : index
    %get3A_145 = vector.load %arg5[%get3A_142, %get3A_143, %get3A_144] : memref<10x5x1xf32, #tpu.memory_space<vmem>>, vector<1x5x1xf32>
    %get3A_146 = vector.shape_cast %get3A_145 : vector<1x5x1xf32> to vector<5x1xf32>
    %slice3A_147 = vector.extract_strided_slice %concatenate3A_141 {offsets = [0, 0], sizes = [1, 10240], strides = [1, 1]} : vector<10x10240xf32> to vector<1x10240xf32>
    %mul3A_148 = vector.broadcast %get3A_146 : vector<5x1xf32> to vector<5x10240xf32>
    %mul3A_149 = vector.broadcast %slice3A_147 : vector<1x10240xf32> to vector<5x10240xf32>
    %mul3A_150 = arith.mulf %mul3A_148, %mul3A_149 : vector<5x10240xf32>
    %get3A_151 = arith.constant 1 : index
    %get3A_152 = arith.constant 0 : index
    %get3A_153 = arith.constant 0 : index
    %get3A_154 = vector.load %arg5[%get3A_151, %get3A_152, %get3A_153] : memref<10x5x1xf32, #tpu.memory_space<vmem>>, vector<1x5x1xf32>
    %get3A_155 = vector.shape_cast %get3A_154 : vector<1x5x1xf32> to vector<5x1xf32>
    %slice3A_156 = vector.extract_strided_slice %concatenate3A_141 {offsets = [1, 0], sizes = [1, 10240], strides = [1, 1]} : vector<10x10240xf32> to vector<1x10240xf32>
    %mul3A_157 = vector.broadcast %get3A_155 : vector<5x1xf32> to vector<5x10240xf32>
    %mul3A_158 = vector.broadcast %slice3A_156 : vector<1x10240xf32> to vector<5x10240xf32>
    %mul3A_159 = arith.mulf %mul3A_157, %mul3A_158 : vector<5x10240xf32>
    %add3A_160 = arith.addf %mul3A_150, %mul3A_159 : vector<5x10240xf32>
    %get3A_161 = arith.constant 2 : index
    %get3A_162 = arith.constant 0 : index
    %get3A_163 = arith.constant 0 : index
    %get3A_164 = vector.load %arg5[%get3A_161, %get3A_162, %get3A_163] : memref<10x5x1xf32, #tpu.memory_space<vmem>>, vector<1x5x1xf32>
    %get3A_165 = vector.shape_cast %get3A_164 : vector<1x5x1xf32> to vector<5x1xf32>
    %slice3A_166 = vector.extract_strided_slice %concatenate3A_141 {offsets = [2, 0], sizes = [1, 10240], strides = [1, 1]} : vector<10x10240xf32> to vector<1x10240xf32>
    %mul3A_167 = vector.broadcast %get3A_165 : vector<5x1xf32> to vector<5x10240xf32>
    %mul3A_168 = vector.broadcast %slice3A_166 : vector<1x10240xf32> to vector<5x10240xf32>
    %mul3A_169 = arith.mulf %mul3A_167, %mul3A_168 : vector<5x10240xf32>
    %add3A_170 = arith.addf %add3A_160, %mul3A_169 : vector<5x10240xf32>
    %get3A_171 = arith.constant 3 : index
    %get3A_172 = arith.constant 0 : index
    %get3A_173 = arith.constant 0 : index
    %get3A_174 = vector.load %arg5[%get3A_171, %get3A_172, %get3A_173] : memref<10x5x1xf32, #tpu.memory_space<vmem>>, vector<1x5x1xf32>
    %get3A_175 = vector.shape_cast %get3A_174 : vector<1x5x1xf32> to vector<5x1xf32>
    %slice3A_176 = vector.extract_strided_slice %concatenate3A_141 {offsets = [3, 0], sizes = [1, 10240], strides = [1, 1]} : vector<10x10240xf32> to vector<1x10240xf32>
    %mul3A_177 = vector.broadcast %get3A_175 : vector<5x1xf32> to vector<5x10240xf32>
    %mul3A_178 = vector.broadcast %slice3A_176 : vector<1x10240xf32> to vector<5x10240xf32>
    %mul3A_179 = arith.mulf %mul3A_177, %mul3A_178 : vector<5x10240xf32>
    %add3A_180 = arith.addf %add3A_170, %mul3A_179 : vector<5x10240xf32>
    %get3A_181 = arith.constant 4 : index
    %get3A_182 = arith.constant 0 : index
    %get3A_183 = arith.constant 0 : index
    %get3A_184 = vector.load %arg5[%get3A_181, %get3A_182, %get3A_183] : memref<10x5x1xf32, #tpu.memory_space<vmem>>, vector<1x5x1xf32>
    %get3A_185 = vector.shape_cast %get3A_184 : vector<1x5x1xf32> to vector<5x1xf32>
    %slice3A_186 = vector.extract_strided_slice %concatenate3A_141 {offsets = [4, 0], sizes = [1, 10240], strides = [1, 1]} : vector<10x10240xf32> to vector<1x10240xf32>
    %mul3A_187 = vector.broadcast %get3A_185 : vector<5x1xf32> to vector<5x10240xf32>
    %mul3A_188 = vector.broadcast %slice3A_186 : vector<1x10240xf32> to vector<5x10240xf32>
    %mul3A_189 = arith.mulf %mul3A_187, %mul3A_188 : vector<5x10240xf32>
    %add3A_190 = arith.addf %add3A_180, %mul3A_189 : vector<5x10240xf32>
    %get3A_191 = arith.constant 5 : index
    %get3A_192 = arith.constant 0 : index
    %get3A_193 = arith.constant 0 : index
    %get3A_194 = vector.load %arg5[%get3A_191, %get3A_192, %get3A_193] : memref<10x5x1xf32, #tpu.memory_space<vmem>>, vector<1x5x1xf32>
    %get3A_195 = vector.shape_cast %get3A_194 : vector<1x5x1xf32> to vector<5x1xf32>
    %slice3A_196 = vector.extract_strided_slice %concatenate3A_141 {offsets = [5, 0], sizes = [1, 10240], strides = [1, 1]} : vector<10x10240xf32> to vector<1x10240xf32>
    %mul3A_197 = vector.broadcast %get3A_195 : vector<5x1xf32> to vector<5x10240xf32>
    %mul3A_198 = vector.broadcast %slice3A_196 : vector<1x10240xf32> to vector<5x10240xf32>
    %mul3A_199 = arith.mulf %mul3A_197, %mul3A_198 : vector<5x10240xf32>
    %add3A_200 = arith.addf %add3A_190, %mul3A_199 : vector<5x10240xf32>
    %get3A_201 = arith.constant 6 : index
    %get3A_202 = arith.constant 0 : index
    %get3A_203 = arith.constant 0 : index
    %get3A_204 = vector.load %arg5[%get3A_201, %get3A_202, %get3A_203] : memref<10x5x1xf32, #tpu.memory_space<vmem>>, vector<1x5x1xf32>
    %get3A_205 = vector.shape_cast %get3A_204 : vector<1x5x1xf32> to vector<5x1xf32>
    %slice3A_206 = vector.extract_strided_slice %concatenate3A_141 {offsets = [6, 0], sizes = [1, 10240], strides = [1, 1]} : vector<10x10240xf32> to vector<1x10240xf32>
    %mul3A_207 = vector.broadcast %get3A_205 : vector<5x1xf32> to vector<5x10240xf32>
    %mul3A_208 = vector.broadcast %slice3A_206 : vector<1x10240xf32> to vector<5x10240xf32>
    %mul3A_209 = arith.mulf %mul3A_207, %mul3A_208 : vector<5x10240xf32>
    %add3A_210 = arith.addf %add3A_200, %mul3A_209 : vector<5x10240xf32>
    %get3A_211 = arith.constant 7 : index
    %get3A_212 = arith.constant 0 : index
    %get3A_213 = arith.constant 0 : index
    %get3A_214 = vector.load %arg5[%get3A_211, %get3A_212, %get3A_213] : memref<10x5x1xf32, #tpu.memory_space<vmem>>, vector<1x5x1xf32>
    %get3A_215 = vector.shape_cast %get3A_214 : vector<1x5x1xf32> to vector<5x1xf32>
    %slice3A_216 = vector.extract_strided_slice %concatenate3A_141 {offsets = [7, 0], sizes = [1, 10240], strides = [1, 1]} : vector<10x10240xf32> to vector<1x10240xf32>
    %mul3A_217 = vector.broadcast %get3A_215 : vector<5x1xf32> to vector<5x10240xf32>
    %mul3A_218 = vector.broadcast %slice3A_216 : vector<1x10240xf32> to vector<5x10240xf32>
    %mul3A_219 = arith.mulf %mul3A_217, %mul3A_218 : vector<5x10240xf32>
    %add3A_220 = arith.addf %add3A_210, %mul3A_219 : vector<5x10240xf32>
    %get3A_221 = arith.constant 8 : index
    %get3A_222 = arith.constant 0 : index
    %get3A_223 = arith.constant 0 : index
    %get3A_224 = vector.load %arg5[%get3A_221, %get3A_222, %get3A_223] : memref<10x5x1xf32, #tpu.memory_space<vmem>>, vector<1x5x1xf32>
    %get3A_225 = vector.shape_cast %get3A_224 : vector<1x5x1xf32> to vector<5x1xf32>
    %slice3A_226 = vector.extract_strided_slice %concatenate3A_141 {offsets = [8, 0], sizes = [1, 10240], strides = [1, 1]} : vector<10x10240xf32> to vector<1x10240xf32>
    %mul3A_227 = vector.broadcast %get3A_225 : vector<5x1xf32> to vector<5x10240xf32>
    %mul3A_228 = vector.broadcast %slice3A_226 : vector<1x10240xf32> to vector<5x10240xf32>
    %mul3A_229 = arith.mulf %mul3A_227, %mul3A_228 : vector<5x10240xf32>
    %add3A_230 = arith.addf %add3A_220, %mul3A_229 : vector<5x10240xf32>
    %get3A_231 = arith.constant 9 : index
    %get3A_232 = arith.constant 0 : index
    %get3A_233 = arith.constant 0 : index
    %get3A_234 = vector.load %arg5[%get3A_231, %get3A_232, %get3A_233] : memref<10x5x1xf32, #tpu.memory_space<vmem>>, vector<1x5x1xf32>
    %get3A_235 = vector.shape_cast %get3A_234 : vector<1x5x1xf32> to vector<5x1xf32>
    %slice3A_236 = vector.extract_strided_slice %concatenate3A_141 {offsets = [9, 0], sizes = [1, 10240], strides = [1, 1]} : vector<10x10240xf32> to vector<1x10240xf32>
    %mul3A_237 = vector.broadcast %get3A_235 : vector<5x1xf32> to vector<5x10240xf32>
    %mul3A_238 = vector.broadcast %slice3A_236 : vector<1x10240xf32> to vector<5x10240xf32>
    %mul3A_239 = arith.mulf %mul3A_237, %mul3A_238 : vector<5x10240xf32>
    %add3A_240 = arith.addf %add3A_230, %mul3A_239 : vector<5x10240xf32>
    %get3A_241 = arith.constant 0 : index
    %get3A_242 = arith.constant 0 : index
    %get3A_243 = vector.load %arg7[%get3A_241, %get3A_242] : memref<5x1xf32, #tpu.memory_space<vmem>>, vector<5x1xf32>
    %add3A_244 = vector.broadcast %get3A_243 : vector<5x1xf32> to vector<5x10240xf32>
    %add3A_245 = arith.addf %add3A_240, %add3A_244 : vector<5x10240xf32>
    %mul3A_246 = vector.broadcast %select_n3A : vector<1x10240xf32> to vector<5x10240xf32>
    %mul3A_247 = arith.mulf %add3A_245, %mul3A_246 : vector<5x10240xf32>
    %slice3A_248 = vector.extract_strided_slice %mul3A_92 {offsets = [0, 0], sizes = [1, 10240], strides = [1, 1]} : vector<5x10240xf32> to vector<1x10240xf32>
    %slice3A_249 = vector.extract_strided_slice %mul3A_92 {offsets = [0, 0], sizes = [1, 10240], strides = [1, 1]} : vector<5x10240xf32> to vector<1x10240xf32>
    %slice3A_250 = vector.extract_strided_slice %mul3A_92 {offsets = [0, 0], sizes = [1, 10240], strides = [1, 1]} : vector<5x10240xf32> to vector<1x10240xf32>
    %slice3A_251 = vector.extract_strided_slice %mul3A_92 {offsets = [1, 0], sizes = [1, 10240], strides = [1, 1]} : vector<5x10240xf32> to vector<1x10240xf32>
    %slice3A_252 = vector.extract_strided_slice %mul3A_92 {offsets = [1, 0], sizes = [1, 10240], strides = [1, 1]} : vector<5x10240xf32> to vector<1x10240xf32>
    %slice3A_253 = vector.extract_strided_slice %mul3A_92 {offsets = [1, 0], sizes = [1, 10240], strides = [1, 1]} : vector<5x10240xf32> to vector<1x10240xf32>
    %slice3A_254 = vector.extract_strided_slice %mul3A_92 {offsets = [2, 0], sizes = [1, 10240], strides = [1, 1]} : vector<5x10240xf32> to vector<1x10240xf32>
    %slice3A_255 = vector.extract_strided_slice %mul3A_92 {offsets = [2, 0], sizes = [1, 10240], strides = [1, 1]} : vector<5x10240xf32> to vector<1x10240xf32>
    %slice3A_256 = vector.extract_strided_slice %mul3A_92 {offsets = [2, 0], sizes = [1, 10240], strides = [1, 1]} : vector<5x10240xf32> to vector<1x10240xf32>
    %slice3A_257 = vector.extract_strided_slice %mul3A_92 {offsets = [3, 0], sizes = [1, 10240], strides = [1, 1]} : vector<5x10240xf32> to vector<1x10240xf32>
    %slice3A_258 = vector.extract_strided_slice %mul3A_92 {offsets = [3, 0], sizes = [1, 10240], strides = [1, 1]} : vector<5x10240xf32> to vector<1x10240xf32>
    %slice3A_259 = vector.extract_strided_slice %mul3A_92 {offsets = [3, 0], sizes = [1, 10240], strides = [1, 1]} : vector<5x10240xf32> to vector<1x10240xf32>
    %slice3A_260 = vector.extract_strided_slice %mul3A_92 {offsets = [4, 0], sizes = [1, 10240], strides = [1, 1]} : vector<5x10240xf32> to vector<1x10240xf32>
    %slice3A_261 = vector.extract_strided_slice %mul3A_92 {offsets = [4, 0], sizes = [1, 10240], strides = [1, 1]} : vector<5x10240xf32> to vector<1x10240xf32>
    %slice3A_262 = vector.extract_strided_slice %mul3A_92 {offsets = [4, 0], sizes = [1, 10240], strides = [1, 1]} : vector<5x10240xf32> to vector<1x10240xf32>
    %concatenate3A_263 = tpu.concatenate %slice3A_248, %slice3A_249, %slice3A_250, %slice3A_251, %slice3A_252, %slice3A_253, %slice3A_254, %slice3A_255, %slice3A_256, %slice3A_257, %slice3A_258, %slice3A_259, %slice3A_260, %slice3A_261, %slice3A_262 in 0 : vector<1x10240xf32>, vector<1x10240xf32>, vector<1x10240xf32>, vector<1x10240xf32>, vector<1x10240xf32>, vector<1x10240xf32>, vector<1x10240xf32>, vector<1x10240xf32>, vector<1x10240xf32>, vector<1x10240xf32>, vector<1x10240xf32>, vector<1x10240xf32>, vector<1x10240xf32>, vector<1x10240xf32>, vector<1x10240xf32> -> vector<15x10240xf32>
    %mul3A_264 = arith.mulf %concatenate3A_263, %concatenate3A : vector<15x10240xf32>
    %concatenate3A_265 = tpu.concatenate %mul3A_110, %mul3A_264 in 0 : vector<15x10240xf32>, vector<15x10240xf32> -> vector<30x10240xf32>
    %slice3A_266 = vector.extract_strided_slice %concatenate3A_265 {offsets = [0, 0], sizes = [3, 10240], strides = [1, 1]} : vector<30x10240xf32> to vector<3x10240xf32>
    %concatenate3A_267 = tpu.concatenate %slice3A_266, %slice3A_266, %slice3A_266, %slice3A_266, %slice3A_266 in 0 : vector<3x10240xf32>, vector<3x10240xf32>, vector<3x10240xf32>, vector<3x10240xf32>, vector<3x10240xf32> -> vector<15x10240xf32>
    %get3A_268 = arith.constant 0 : index
    %get3A_269 = arith.constant 0 : index
    %get3A_270 = arith.constant 0 : index
    %get3A_271 = vector.load %arg6[%get3A_268, %get3A_269, %get3A_270] : memref<10x15x1xf32, #tpu.memory_space<vmem>>, vector<1x15x1xf32>
    %get3A_272 = vector.shape_cast %get3A_271 : vector<1x15x1xf32> to vector<15x1xf32>
    %mul3A_273 = vector.broadcast %get3A_272 : vector<15x1xf32> to vector<15x10240xf32>
    %mul3A_274 = arith.mulf %mul3A_273, %concatenate3A_267 : vector<15x10240xf32>
    %slice3A_275 = vector.extract_strided_slice %concatenate3A_265 {offsets = [3, 0], sizes = [3, 10240], strides = [1, 1]} : vector<30x10240xf32> to vector<3x10240xf32>
    %concatenate3A_276 = tpu.concatenate %slice3A_275, %slice3A_275, %slice3A_275, %slice3A_275, %slice3A_275 in 0 : vector<3x10240xf32>, vector<3x10240xf32>, vector<3x10240xf32>, vector<3x10240xf32>, vector<3x10240xf32> -> vector<15x10240xf32>
    %get3A_277 = arith.constant 1 : index
    %get3A_278 = arith.constant 0 : index
    %get3A_279 = arith.constant 0 : index
    %get3A_280 = vector.load %arg6[%get3A_277, %get3A_278, %get3A_279] : memref<10x15x1xf32, #tpu.memory_space<vmem>>, vector<1x15x1xf32>
    %get3A_281 = vector.shape_cast %get3A_280 : vector<1x15x1xf32> to vector<15x1xf32>
    %mul3A_282 = vector.broadcast %get3A_281 : vector<15x1xf32> to vector<15x10240xf32>
    %mul3A_283 = arith.mulf %mul3A_282, %concatenate3A_276 : vector<15x10240xf32>
    %add3A_284 = arith.addf %mul3A_274, %mul3A_283 : vector<15x10240xf32>
    %slice3A_285 = vector.extract_strided_slice %concatenate3A_265 {offsets = [6, 0], sizes = [3, 10240], strides = [1, 1]} : vector<30x10240xf32> to vector<3x10240xf32>
    %concatenate3A_286 = tpu.concatenate %slice3A_285, %slice3A_285, %slice3A_285, %slice3A_285, %slice3A_285 in 0 : vector<3x10240xf32>, vector<3x10240xf32>, vector<3x10240xf32>, vector<3x10240xf32>, vector<3x10240xf32> -> vector<15x10240xf32>
    %get3A_287 = arith.constant 2 : index
    %get3A_288 = arith.constant 0 : index
    %get3A_289 = arith.constant 0 : index
    %get3A_290 = vector.load %arg6[%get3A_287, %get3A_288, %get3A_289] : memref<10x15x1xf32, #tpu.memory_space<vmem>>, vector<1x15x1xf32>
    %get3A_291 = vector.shape_cast %get3A_290 : vector<1x15x1xf32> to vector<15x1xf32>
    %mul3A_292 = vector.broadcast %get3A_291 : vector<15x1xf32> to vector<15x10240xf32>
    %mul3A_293 = arith.mulf %mul3A_292, %concatenate3A_286 : vector<15x10240xf32>
    %add3A_294 = arith.addf %add3A_284, %mul3A_293 : vector<15x10240xf32>
    %slice3A_295 = vector.extract_strided_slice %concatenate3A_265 {offsets = [9, 0], sizes = [3, 10240], strides = [1, 1]} : vector<30x10240xf32> to vector<3x10240xf32>
    %concatenate3A_296 = tpu.concatenate %slice3A_295, %slice3A_295, %slice3A_295, %slice3A_295, %slice3A_295 in 0 : vector<3x10240xf32>, vector<3x10240xf32>, vector<3x10240xf32>, vector<3x10240xf32>, vector<3x10240xf32> -> vector<15x10240xf32>
    %get3A_297 = arith.constant 3 : index
    %get3A_298 = arith.constant 0 : index
    %get3A_299 = arith.constant 0 : index
    %get3A_300 = vector.load %arg6[%get3A_297, %get3A_298, %get3A_299] : memref<10x15x1xf32, #tpu.memory_space<vmem>>, vector<1x15x1xf32>
    %get3A_301 = vector.shape_cast %get3A_300 : vector<1x15x1xf32> to vector<15x1xf32>
    %mul3A_302 = vector.broadcast %get3A_301 : vector<15x1xf32> to vector<15x10240xf32>
    %mul3A_303 = arith.mulf %mul3A_302, %concatenate3A_296 : vector<15x10240xf32>
    %add3A_304 = arith.addf %add3A_294, %mul3A_303 : vector<15x10240xf32>
    %slice3A_305 = vector.extract_strided_slice %concatenate3A_265 {offsets = [12, 0], sizes = [3, 10240], strides = [1, 1]} : vector<30x10240xf32> to vector<3x10240xf32>
    %concatenate3A_306 = tpu.concatenate %slice3A_305, %slice3A_305, %slice3A_305, %slice3A_305, %slice3A_305 in 0 : vector<3x10240xf32>, vector<3x10240xf32>, vector<3x10240xf32>, vector<3x10240xf32>, vector<3x10240xf32> -> vector<15x10240xf32>
    %get3A_307 = arith.constant 4 : index
    %get3A_308 = arith.constant 0 : index
    %get3A_309 = arith.constant 0 : index
    %get3A_310 = vector.load %arg6[%get3A_307, %get3A_308, %get3A_309] : memref<10x15x1xf32, #tpu.memory_space<vmem>>, vector<1x15x1xf32>
    %get3A_311 = vector.shape_cast %get3A_310 : vector<1x15x1xf32> to vector<15x1xf32>
    %mul3A_312 = vector.broadcast %get3A_311 : vector<15x1xf32> to vector<15x10240xf32>
    %mul3A_313 = arith.mulf %mul3A_312, %concatenate3A_306 : vector<15x10240xf32>
    %add3A_314 = arith.addf %add3A_304, %mul3A_313 : vector<15x10240xf32>
    %slice3A_315 = vector.extract_strided_slice %concatenate3A_265 {offsets = [15, 0], sizes = [3, 10240], strides = [1, 1]} : vector<30x10240xf32> to vector<3x10240xf32>
    %concatenate3A_316 = tpu.concatenate %slice3A_315, %slice3A_315, %slice3A_315, %slice3A_315, %slice3A_315 in 0 : vector<3x10240xf32>, vector<3x10240xf32>, vector<3x10240xf32>, vector<3x10240xf32>, vector<3x10240xf32> -> vector<15x10240xf32>
    %get3A_317 = arith.constant 5 : index
    %get3A_318 = arith.constant 0 : index
    %get3A_319 = arith.constant 0 : index
    %get3A_320 = vector.load %arg6[%get3A_317, %get3A_318, %get3A_319] : memref<10x15x1xf32, #tpu.memory_space<vmem>>, vector<1x15x1xf32>
    %get3A_321 = vector.shape_cast %get3A_320 : vector<1x15x1xf32> to vector<15x1xf32>
    %mul3A_322 = vector.broadcast %get3A_321 : vector<15x1xf32> to vector<15x10240xf32>
    %mul3A_323 = arith.mulf %mul3A_322, %concatenate3A_316 : vector<15x10240xf32>
    %add3A_324 = arith.addf %add3A_314, %mul3A_323 : vector<15x10240xf32>
    %slice3A_325 = vector.extract_strided_slice %concatenate3A_265 {offsets = [18, 0], sizes = [3, 10240], strides = [1, 1]} : vector<30x10240xf32> to vector<3x10240xf32>
    %concatenate3A_326 = tpu.concatenate %slice3A_325, %slice3A_325, %slice3A_325, %slice3A_325, %slice3A_325 in 0 : vector<3x10240xf32>, vector<3x10240xf32>, vector<3x10240xf32>, vector<3x10240xf32>, vector<3x10240xf32> -> vector<15x10240xf32>
    %get3A_327 = arith.constant 6 : index
    %get3A_328 = arith.constant 0 : index
    %get3A_329 = arith.constant 0 : index
    %get3A_330 = vector.load %arg6[%get3A_327, %get3A_328, %get3A_329] : memref<10x15x1xf32, #tpu.memory_space<vmem>>, vector<1x15x1xf32>
    %get3A_331 = vector.shape_cast %get3A_330 : vector<1x15x1xf32> to vector<15x1xf32>
    %mul3A_332 = vector.broadcast %get3A_331 : vector<15x1xf32> to vector<15x10240xf32>
    %mul3A_333 = arith.mulf %mul3A_332, %concatenate3A_326 : vector<15x10240xf32>
    %add3A_334 = arith.addf %add3A_324, %mul3A_333 : vector<15x10240xf32>
    %slice3A_335 = vector.extract_strided_slice %concatenate3A_265 {offsets = [21, 0], sizes = [3, 10240], strides = [1, 1]} : vector<30x10240xf32> to vector<3x10240xf32>
    %concatenate3A_336 = tpu.concatenate %slice3A_335, %slice3A_335, %slice3A_335, %slice3A_335, %slice3A_335 in 0 : vector<3x10240xf32>, vector<3x10240xf32>, vector<3x10240xf32>, vector<3x10240xf32>, vector<3x10240xf32> -> vector<15x10240xf32>
    %get3A_337 = arith.constant 7 : index
    %get3A_338 = arith.constant 0 : index
    %get3A_339 = arith.constant 0 : index
    %get3A_340 = vector.load %arg6[%get3A_337, %get3A_338, %get3A_339] : memref<10x15x1xf32, #tpu.memory_space<vmem>>, vector<1x15x1xf32>
    %get3A_341 = vector.shape_cast %get3A_340 : vector<1x15x1xf32> to vector<15x1xf32>
    %mul3A_342 = vector.broadcast %get3A_341 : vector<15x1xf32> to vector<15x10240xf32>
    %mul3A_343 = arith.mulf %mul3A_342, %concatenate3A_336 : vector<15x10240xf32>
    %add3A_344 = arith.addf %add3A_334, %mul3A_343 : vector<15x10240xf32>
    %slice3A_345 = vector.extract_strided_slice %concatenate3A_265 {offsets = [24, 0], sizes = [3, 10240], strides = [1, 1]} : vector<30x10240xf32> to vector<3x10240xf32>
    %concatenate3A_346 = tpu.concatenate %slice3A_345, %slice3A_345, %slice3A_345, %slice3A_345, %slice3A_345 in 0 : vector<3x10240xf32>, vector<3x10240xf32>, vector<3x10240xf32>, vector<3x10240xf32>, vector<3x10240xf32> -> vector<15x10240xf32>
    %get3A_347 = arith.constant 8 : index
    %get3A_348 = arith.constant 0 : index
    %get3A_349 = arith.constant 0 : index
    %get3A_350 = vector.load %arg6[%get3A_347, %get3A_348, %get3A_349] : memref<10x15x1xf32, #tpu.memory_space<vmem>>, vector<1x15x1xf32>
    %get3A_351 = vector.shape_cast %get3A_350 : vector<1x15x1xf32> to vector<15x1xf32>
    %mul3A_352 = vector.broadcast %get3A_351 : vector<15x1xf32> to vector<15x10240xf32>
    %mul3A_353 = arith.mulf %mul3A_352, %concatenate3A_346 : vector<15x10240xf32>
    %add3A_354 = arith.addf %add3A_344, %mul3A_353 : vector<15x10240xf32>
    %slice3A_355 = vector.extract_strided_slice %concatenate3A_265 {offsets = [27, 0], sizes = [3, 10240], strides = [1, 1]} : vector<30x10240xf32> to vector<3x10240xf32>
    %concatenate3A_356 = tpu.concatenate %slice3A_355, %slice3A_355, %slice3A_355, %slice3A_355, %slice3A_355 in 0 : vector<3x10240xf32>, vector<3x10240xf32>, vector<3x10240xf32>, vector<3x10240xf32>, vector<3x10240xf32> -> vector<15x10240xf32>
    %get3A_357 = arith.constant 9 : index
    %get3A_358 = arith.constant 0 : index
    %get3A_359 = arith.constant 0 : index
    %get3A_360 = vector.load %arg6[%get3A_357, %get3A_358, %get3A_359] : memref<10x15x1xf32, #tpu.memory_space<vmem>>, vector<1x15x1xf32>
    %get3A_361 = vector.shape_cast %get3A_360 : vector<1x15x1xf32> to vector<15x1xf32>
    %mul3A_362 = vector.broadcast %get3A_361 : vector<15x1xf32> to vector<15x10240xf32>
    %mul3A_363 = arith.mulf %mul3A_362, %concatenate3A_356 : vector<15x10240xf32>
    %add3A_364 = arith.addf %add3A_354, %mul3A_363 : vector<15x10240xf32>
    %mul3A_365 = vector.broadcast %select_n3A : vector<1x10240xf32> to vector<15x10240xf32>
    %mul3A_366 = arith.mulf %add3A_364, %mul3A_365 : vector<15x10240xf32>
    %get3A_367 = arith.constant 0 : index
    %get3A_368 = arith.constant 0 : index
    %get3A_369 = arith.constant 0 : index
    %get3A_370 = vector.load %arg8[%get3A_367, %get3A_368, %get3A_369] : memref<5x10x1xf32, #tpu.memory_space<vmem>>, vector<1x10x1xf32>
    %get3A_371 = vector.shape_cast %get3A_370 : vector<1x10x1xf32> to vector<10x1xf32>
    %slice3A_372 = vector.extract_strided_slice %mul3A_247 {offsets = [0, 0], sizes = [1, 10240], strides = [1, 1]} : vector<5x10240xf32> to vector<1x10240xf32>
    %mul3A_373 = vector.broadcast %get3A_371 : vector<10x1xf32> to vector<10x10240xf32>
    %mul3A_374 = vector.broadcast %slice3A_372 : vector<1x10240xf32> to vector<10x10240xf32>
    %mul3A_375 = arith.mulf %mul3A_373, %mul3A_374 : vector<10x10240xf32>
    %get3A_376 = arith.constant 1 : index
    %get3A_377 = arith.constant 0 : index
    %get3A_378 = arith.constant 0 : index
    %get3A_379 = vector.load %arg8[%get3A_376, %get3A_377, %get3A_378] : memref<5x10x1xf32, #tpu.memory_space<vmem>>, vector<1x10x1xf32>
    %get3A_380 = vector.shape_cast %get3A_379 : vector<1x10x1xf32> to vector<10x1xf32>
    %slice3A_381 = vector.extract_strided_slice %mul3A_247 {offsets = [1, 0], sizes = [1, 10240], strides = [1, 1]} : vector<5x10240xf32> to vector<1x10240xf32>
    %mul3A_382 = vector.broadcast %get3A_380 : vector<10x1xf32> to vector<10x10240xf32>
    %mul3A_383 = vector.broadcast %slice3A_381 : vector<1x10240xf32> to vector<10x10240xf32>
    %mul3A_384 = arith.mulf %mul3A_382, %mul3A_383 : vector<10x10240xf32>
    %add3A_385 = arith.addf %mul3A_375, %mul3A_384 : vector<10x10240xf32>
    %get3A_386 = arith.constant 2 : index
    %get3A_387 = arith.constant 0 : index
    %get3A_388 = arith.constant 0 : index
    %get3A_389 = vector.load %arg8[%get3A_386, %get3A_387, %get3A_388] : memref<5x10x1xf32, #tpu.memory_space<vmem>>, vector<1x10x1xf32>
    %get3A_390 = vector.shape_cast %get3A_389 : vector<1x10x1xf32> to vector<10x1xf32>
    %slice3A_391 = vector.extract_strided_slice %mul3A_247 {offsets = [2, 0], sizes = [1, 10240], strides = [1, 1]} : vector<5x10240xf32> to vector<1x10240xf32>
    %mul3A_392 = vector.broadcast %get3A_390 : vector<10x1xf32> to vector<10x10240xf32>
    %mul3A_393 = vector.broadcast %slice3A_391 : vector<1x10240xf32> to vector<10x10240xf32>
    %mul3A_394 = arith.mulf %mul3A_392, %mul3A_393 : vector<10x10240xf32>
    %add3A_395 = arith.addf %add3A_385, %mul3A_394 : vector<10x10240xf32>
    %get3A_396 = arith.constant 3 : index
    %get3A_397 = arith.constant 0 : index
    %get3A_398 = arith.constant 0 : index
    %get3A_399 = vector.load %arg8[%get3A_396, %get3A_397, %get3A_398] : memref<5x10x1xf32, #tpu.memory_space<vmem>>, vector<1x10x1xf32>
    %get3A_400 = vector.shape_cast %get3A_399 : vector<1x10x1xf32> to vector<10x1xf32>
    %slice3A_401 = vector.extract_strided_slice %mul3A_247 {offsets = [3, 0], sizes = [1, 10240], strides = [1, 1]} : vector<5x10240xf32> to vector<1x10240xf32>
    %mul3A_402 = vector.broadcast %get3A_400 : vector<10x1xf32> to vector<10x10240xf32>
    %mul3A_403 = vector.broadcast %slice3A_401 : vector<1x10240xf32> to vector<10x10240xf32>
    %mul3A_404 = arith.mulf %mul3A_402, %mul3A_403 : vector<10x10240xf32>
    %add3A_405 = arith.addf %add3A_395, %mul3A_404 : vector<10x10240xf32>
    %get3A_406 = arith.constant 4 : index
    %get3A_407 = arith.constant 0 : index
    %get3A_408 = arith.constant 0 : index
    %get3A_409 = vector.load %arg8[%get3A_406, %get3A_407, %get3A_408] : memref<5x10x1xf32, #tpu.memory_space<vmem>>, vector<1x10x1xf32>
    %get3A_410 = vector.shape_cast %get3A_409 : vector<1x10x1xf32> to vector<10x1xf32>
    %slice3A_411 = vector.extract_strided_slice %mul3A_247 {offsets = [4, 0], sizes = [1, 10240], strides = [1, 1]} : vector<5x10240xf32> to vector<1x10240xf32>
    %mul3A_412 = vector.broadcast %get3A_410 : vector<10x1xf32> to vector<10x10240xf32>
    %mul3A_413 = vector.broadcast %slice3A_411 : vector<1x10240xf32> to vector<10x10240xf32>
    %mul3A_414 = arith.mulf %mul3A_412, %mul3A_413 : vector<10x10240xf32>
    %add3A_415 = arith.addf %add3A_405, %mul3A_414 : vector<10x10240xf32>
    %get3A_416 = arith.constant 0 : index
    %get3A_417 = arith.constant 0 : index
    %get3A_418 = vector.load %arg9[%get3A_416, %get3A_417] : memref<10x1xf32, #tpu.memory_space<vmem>>, vector<10x1xf32>
    %add3A_419 = vector.broadcast %get3A_418 : vector<10x1xf32> to vector<10x10240xf32>
    %add3A_420 = arith.addf %add3A_415, %add3A_419 : vector<10x10240xf32>
    %mul3A_421 = arith.constant 5.000000e-01 : f32
    %mul3A_422 = vector.broadcast %mul3A_421 : f32 to vector<10x10240xf32>
    %mul3A_423 = arith.mulf %mul3A_422, %add3A_420 : vector<10x10240xf32>
    %mul3A_424 = arith.constant 0.707106769 : f32
    %mul3A_425 = vector.broadcast %mul3A_424 : f32 to vector<10x10240xf32>
    %mul3A_426 = arith.mulf %add3A_420, %mul3A_425 : vector<10x10240xf32>
    %erf3A_427 = math.erf %mul3A_426 : vector<10x10240xf32>
    %add3A_428 = arith.constant 1.000000e+00 : f32
    %add3A_429 = vector.broadcast %add3A_428 : f32 to vector<10x10240xf32>
    %add3A_430 = arith.addf %add3A_429, %erf3A_427 : vector<10x10240xf32>
    %mul3A_431 = arith.mulf %mul3A_423, %add3A_430 : vector<10x10240xf32>
    %slice3A_432 = vector.extract_strided_slice %mul3A_431 {offsets = [0, 0], sizes = [5, 10240], strides = [1, 1]} : vector<10x10240xf32> to vector<5x10240xf32>
    %mul3A_433 = arith.mulf %slice3A_432, %mul3A_247 : vector<5x10240xf32>
    %slice3A_434 = vector.extract_strided_slice %mul3A_431 {offsets = [5, 0], sizes = [5, 10240], strides = [1, 1]} : vector<10x10240xf32> to vector<5x10240xf32>
    %slice3A_435 = vector.extract_strided_slice %slice3A_434 {offsets = [0, 0], sizes = [1, 10240], strides = [1, 1]} : vector<5x10240xf32> to vector<1x10240xf32>
    %slice3A_436 = vector.extract_strided_slice %slice3A_434 {offsets = [0, 0], sizes = [1, 10240], strides = [1, 1]} : vector<5x10240xf32> to vector<1x10240xf32>
    %slice3A_437 = vector.extract_strided_slice %slice3A_434 {offsets = [0, 0], sizes = [1, 10240], strides = [1, 1]} : vector<5x10240xf32> to vector<1x10240xf32>
    %slice3A_438 = vector.extract_strided_slice %slice3A_434 {offsets = [1, 0], sizes = [1, 10240], strides = [1, 1]} : vector<5x10240xf32> to vector<1x10240xf32>
    %slice3A_439 = vector.extract_strided_slice %slice3A_434 {offsets = [1, 0], sizes = [1, 10240], strides = [1, 1]} : vector<5x10240xf32> to vector<1x10240xf32>
    %slice3A_440 = vector.extract_strided_slice %slice3A_434 {offsets = [1, 0], sizes = [1, 10240], strides = [1, 1]} : vector<5x10240xf32> to vector<1x10240xf32>
    %slice3A_441 = vector.extract_strided_slice %slice3A_434 {offsets = [2, 0], sizes = [1, 10240], strides = [1, 1]} : vector<5x10240xf32> to vector<1x10240xf32>
    %slice3A_442 = vector.extract_strided_slice %slice3A_434 {offsets = [2, 0], sizes = [1, 10240], strides = [1, 1]} : vector<5x10240xf32> to vector<1x10240xf32>
    %slice3A_443 = vector.extract_strided_slice %slice3A_434 {offsets = [2, 0], sizes = [1, 10240], strides = [1, 1]} : vector<5x10240xf32> to vector<1x10240xf32>
    %slice3A_444 = vector.extract_strided_slice %slice3A_434 {offsets = [3, 0], sizes = [1, 10240], strides = [1, 1]} : vector<5x10240xf32> to vector<1x10240xf32>
    %slice3A_445 = vector.extract_strided_slice %slice3A_434 {offsets = [3, 0], sizes = [1, 10240], strides = [1, 1]} : vector<5x10240xf32> to vector<1x10240xf32>
    %slice3A_446 = vector.extract_strided_slice %slice3A_434 {offsets = [3, 0], sizes = [1, 10240], strides = [1, 1]} : vector<5x10240xf32> to vector<1x10240xf32>
    %slice3A_447 = vector.extract_strided_slice %slice3A_434 {offsets = [4, 0], sizes = [1, 10240], strides = [1, 1]} : vector<5x10240xf32> to vector<1x10240xf32>
    %slice3A_448 = vector.extract_strided_slice %slice3A_434 {offsets = [4, 0], sizes = [1, 10240], strides = [1, 1]} : vector<5x10240xf32> to vector<1x10240xf32>
    %slice3A_449 = vector.extract_strided_slice %slice3A_434 {offsets = [4, 0], sizes = [1, 10240], strides = [1, 1]} : vector<5x10240xf32> to vector<1x10240xf32>
    %concatenate3A_450 = tpu.concatenate %slice3A_435, %slice3A_436, %slice3A_437, %slice3A_438, %slice3A_439, %slice3A_440, %slice3A_441, %slice3A_442, %slice3A_443, %slice3A_444, %slice3A_445, %slice3A_446, %slice3A_447, %slice3A_448, %slice3A_449 in 0 : vector<1x10240xf32>, vector<1x10240xf32>, vector<1x10240xf32>, vector<1x10240xf32>, vector<1x10240xf32>, vector<1x10240xf32>, vector<1x10240xf32>, vector<1x10240xf32>, vector<1x10240xf32>, vector<1x10240xf32>, vector<1x10240xf32>, vector<1x10240xf32>, vector<1x10240xf32>, vector<1x10240xf32>, vector<1x10240xf32> -> vector<15x10240xf32>
    %mul3A_451 = arith.mulf %concatenate3A_450, %mul3A_366 : vector<15x10240xf32>
    %mul3A_452 = arith.mulf %mul3A_451, %concatenate3A : vector<15x10240xf32>
    %slice3A_453 = vector.extract_strided_slice %mul3A_452 {offsets = [0, 0], sizes = [1, 10240], strides = [1, 1]} : vector<15x10240xf32> to vector<1x10240xf32>
    %slice3A_454 = vector.extract_strided_slice %mul3A_452 {offsets = [1, 0], sizes = [1, 10240], strides = [1, 1]} : vector<15x10240xf32> to vector<1x10240xf32>
    %add3A_455 = arith.addf %slice3A_453, %slice3A_454 : vector<1x10240xf32>
    %slice3A_456 = vector.extract_strided_slice %mul3A_452 {offsets = [2, 0], sizes = [1, 10240], strides = [1, 1]} : vector<15x10240xf32> to vector<1x10240xf32>
    %add3A_457 = arith.addf %add3A_455, %slice3A_456 : vector<1x10240xf32>
    %slice3A_458 = vector.extract_strided_slice %mul3A_452 {offsets = [3, 0], sizes = [1, 10240], strides = [1, 1]} : vector<15x10240xf32> to vector<1x10240xf32>
    %slice3A_459 = vector.extract_strided_slice %mul3A_452 {offsets = [4, 0], sizes = [1, 10240], strides = [1, 1]} : vector<15x10240xf32> to vector<1x10240xf32>
    %add3A_460 = arith.addf %slice3A_458, %slice3A_459 : vector<1x10240xf32>
    %slice3A_461 = vector.extract_strided_slice %mul3A_452 {offsets = [5, 0], sizes = [1, 10240], strides = [1, 1]} : vector<15x10240xf32> to vector<1x10240xf32>
    %add3A_462 = arith.addf %add3A_460, %slice3A_461 : vector<1x10240xf32>
    %slice3A_463 = vector.extract_strided_slice %mul3A_452 {offsets = [6, 0], sizes = [1, 10240], strides = [1, 1]} : vector<15x10240xf32> to vector<1x10240xf32>
    %slice3A_464 = vector.extract_strided_slice %mul3A_452 {offsets = [7, 0], sizes = [1, 10240], strides = [1, 1]} : vector<15x10240xf32> to vector<1x10240xf32>
    %add3A_465 = arith.addf %slice3A_463, %slice3A_464 : vector<1x10240xf32>
    %slice3A_466 = vector.extract_strided_slice %mul3A_452 {offsets = [8, 0], sizes = [1, 10240], strides = [1, 1]} : vector<15x10240xf32> to vector<1x10240xf32>
    %add3A_467 = arith.addf %add3A_465, %slice3A_466 : vector<1x10240xf32>
    %slice3A_468 = vector.extract_strided_slice %mul3A_452 {offsets = [9, 0], sizes = [1, 10240], strides = [1, 1]} : vector<15x10240xf32> to vector<1x10240xf32>
    %slice3A_469 = vector.extract_strided_slice %mul3A_452 {offsets = [10, 0], sizes = [1, 10240], strides = [1, 1]} : vector<15x10240xf32> to vector<1x10240xf32>
    %add3A_470 = arith.addf %slice3A_468, %slice3A_469 : vector<1x10240xf32>
    %slice3A_471 = vector.extract_strided_slice %mul3A_452 {offsets = [11, 0], sizes = [1, 10240], strides = [1, 1]} : vector<15x10240xf32> to vector<1x10240xf32>
    %add3A_472 = arith.addf %add3A_470, %slice3A_471 : vector<1x10240xf32>
    %slice3A_473 = vector.extract_strided_slice %mul3A_452 {offsets = [12, 0], sizes = [1, 10240], strides = [1, 1]} : vector<15x10240xf32> to vector<1x10240xf32>
    %slice3A_474 = vector.extract_strided_slice %mul3A_452 {offsets = [13, 0], sizes = [1, 10240], strides = [1, 1]} : vector<15x10240xf32> to vector<1x10240xf32>
    %add3A_475 = arith.addf %slice3A_473, %slice3A_474 : vector<1x10240xf32>
    %slice3A_476 = vector.extract_strided_slice %mul3A_452 {offsets = [14, 0], sizes = [1, 10240], strides = [1, 1]} : vector<15x10240xf32> to vector<1x10240xf32>
    %add3A_477 = arith.addf %add3A_475, %slice3A_476 : vector<1x10240xf32>
    %concatenate3A_478 = tpu.concatenate %add3A_457, %add3A_462, %add3A_467, %add3A_472, %add3A_477 in 0 : vector<1x10240xf32>, vector<1x10240xf32>, vector<1x10240xf32>, vector<1x10240xf32>, vector<1x10240xf32> -> vector<5x10240xf32>
    %mul3A_479 = arith.constant 0.577350259 : f32
    %mul3A_480 = vector.broadcast %mul3A_479 : f32 to vector<5x10240xf32>
    %mul3A_481 = arith.mulf %concatenate3A_478, %mul3A_480 : vector<5x10240xf32>
    %concatenate3A_482 = tpu.concatenate %mul3A_433, %mul3A_481 in 0 : vector<5x10240xf32>, vector<5x10240xf32> -> vector<10x10240xf32>
    %get3A_483 = arith.constant 0 : index
    %get3A_484 = arith.constant 0 : index
    %get3A_485 = arith.constant 0 : index
    %get3A_486 = vector.load %arg10[%get3A_483, %get3A_484, %get3A_485] : memref<10x5x1xf32, #tpu.memory_space<vmem>>, vector<1x5x1xf32>
    %get3A_487 = vector.shape_cast %get3A_486 : vector<1x5x1xf32> to vector<5x1xf32>
    %slice3A_488 = vector.extract_strided_slice %concatenate3A_482 {offsets = [0, 0], sizes = [1, 10240], strides = [1, 1]} : vector<10x10240xf32> to vector<1x10240xf32>
    %mul3A_489 = vector.broadcast %get3A_487 : vector<5x1xf32> to vector<5x10240xf32>
    %mul3A_490 = vector.broadcast %slice3A_488 : vector<1x10240xf32> to vector<5x10240xf32>
    %mul3A_491 = arith.mulf %mul3A_489, %mul3A_490 : vector<5x10240xf32>
    %get3A_492 = arith.constant 1 : index
    %get3A_493 = arith.constant 0 : index
    %get3A_494 = arith.constant 0 : index
    %get3A_495 = vector.load %arg10[%get3A_492, %get3A_493, %get3A_494] : memref<10x5x1xf32, #tpu.memory_space<vmem>>, vector<1x5x1xf32>
    %get3A_496 = vector.shape_cast %get3A_495 : vector<1x5x1xf32> to vector<5x1xf32>
    %slice3A_497 = vector.extract_strided_slice %concatenate3A_482 {offsets = [1, 0], sizes = [1, 10240], strides = [1, 1]} : vector<10x10240xf32> to vector<1x10240xf32>
    %mul3A_498 = vector.broadcast %get3A_496 : vector<5x1xf32> to vector<5x10240xf32>
    %mul3A_499 = vector.broadcast %slice3A_497 : vector<1x10240xf32> to vector<5x10240xf32>
    %mul3A_500 = arith.mulf %mul3A_498, %mul3A_499 : vector<5x10240xf32>
    %add3A_501 = arith.addf %mul3A_491, %mul3A_500 : vector<5x10240xf32>
    %get3A_502 = arith.constant 2 : index
    %get3A_503 = arith.constant 0 : index
    %get3A_504 = arith.constant 0 : index
    %get3A_505 = vector.load %arg10[%get3A_502, %get3A_503, %get3A_504] : memref<10x5x1xf32, #tpu.memory_space<vmem>>, vector<1x5x1xf32>
    %get3A_506 = vector.shape_cast %get3A_505 : vector<1x5x1xf32> to vector<5x1xf32>
    %slice3A_507 = vector.extract_strided_slice %concatenate3A_482 {offsets = [2, 0], sizes = [1, 10240], strides = [1, 1]} : vector<10x10240xf32> to vector<1x10240xf32>
    %mul3A_508 = vector.broadcast %get3A_506 : vector<5x1xf32> to vector<5x10240xf32>
    %mul3A_509 = vector.broadcast %slice3A_507 : vector<1x10240xf32> to vector<5x10240xf32>
    %mul3A_510 = arith.mulf %mul3A_508, %mul3A_509 : vector<5x10240xf32>
    %add3A_511 = arith.addf %add3A_501, %mul3A_510 : vector<5x10240xf32>
    %get3A_512 = arith.constant 3 : index
    %get3A_513 = arith.constant 0 : index
    %get3A_514 = arith.constant 0 : index
    %get3A_515 = vector.load %arg10[%get3A_512, %get3A_513, %get3A_514] : memref<10x5x1xf32, #tpu.memory_space<vmem>>, vector<1x5x1xf32>
    %get3A_516 = vector.shape_cast %get3A_515 : vector<1x5x1xf32> to vector<5x1xf32>
    %slice3A_517 = vector.extract_strided_slice %concatenate3A_482 {offsets = [3, 0], sizes = [1, 10240], strides = [1, 1]} : vector<10x10240xf32> to vector<1x10240xf32>
    %mul3A_518 = vector.broadcast %get3A_516 : vector<5x1xf32> to vector<5x10240xf32>
    %mul3A_519 = vector.broadcast %slice3A_517 : vector<1x10240xf32> to vector<5x10240xf32>
    %mul3A_520 = arith.mulf %mul3A_518, %mul3A_519 : vector<5x10240xf32>
    %add3A_521 = arith.addf %add3A_511, %mul3A_520 : vector<5x10240xf32>
    %get3A_522 = arith.constant 4 : index
    %get3A_523 = arith.constant 0 : index
    %get3A_524 = arith.constant 0 : index
    %get3A_525 = vector.load %arg10[%get3A_522, %get3A_523, %get3A_524] : memref<10x5x1xf32, #tpu.memory_space<vmem>>, vector<1x5x1xf32>
    %get3A_526 = vector.shape_cast %get3A_525 : vector<1x5x1xf32> to vector<5x1xf32>
    %slice3A_527 = vector.extract_strided_slice %concatenate3A_482 {offsets = [4, 0], sizes = [1, 10240], strides = [1, 1]} : vector<10x10240xf32> to vector<1x10240xf32>
    %mul3A_528 = vector.broadcast %get3A_526 : vector<5x1xf32> to vector<5x10240xf32>
    %mul3A_529 = vector.broadcast %slice3A_527 : vector<1x10240xf32> to vector<5x10240xf32>
    %mul3A_530 = arith.mulf %mul3A_528, %mul3A_529 : vector<5x10240xf32>
    %add3A_531 = arith.addf %add3A_521, %mul3A_530 : vector<5x10240xf32>
    %get3A_532 = arith.constant 5 : index
    %get3A_533 = arith.constant 0 : index
    %get3A_534 = arith.constant 0 : index
    %get3A_535 = vector.load %arg10[%get3A_532, %get3A_533, %get3A_534] : memref<10x5x1xf32, #tpu.memory_space<vmem>>, vector<1x5x1xf32>
    %get3A_536 = vector.shape_cast %get3A_535 : vector<1x5x1xf32> to vector<5x1xf32>
    %slice3A_537 = vector.extract_strided_slice %concatenate3A_482 {offsets = [5, 0], sizes = [1, 10240], strides = [1, 1]} : vector<10x10240xf32> to vector<1x10240xf32>
    %mul3A_538 = vector.broadcast %get3A_536 : vector<5x1xf32> to vector<5x10240xf32>
    %mul3A_539 = vector.broadcast %slice3A_537 : vector<1x10240xf32> to vector<5x10240xf32>
    %mul3A_540 = arith.mulf %mul3A_538, %mul3A_539 : vector<5x10240xf32>
    %add3A_541 = arith.addf %add3A_531, %mul3A_540 : vector<5x10240xf32>
    %get3A_542 = arith.constant 6 : index
    %get3A_543 = arith.constant 0 : index
    %get3A_544 = arith.constant 0 : index
    %get3A_545 = vector.load %arg10[%get3A_542, %get3A_543, %get3A_544] : memref<10x5x1xf32, #tpu.memory_space<vmem>>, vector<1x5x1xf32>
    %get3A_546 = vector.shape_cast %get3A_545 : vector<1x5x1xf32> to vector<5x1xf32>
    %slice3A_547 = vector.extract_strided_slice %concatenate3A_482 {offsets = [6, 0], sizes = [1, 10240], strides = [1, 1]} : vector<10x10240xf32> to vector<1x10240xf32>
    %mul3A_548 = vector.broadcast %get3A_546 : vector<5x1xf32> to vector<5x10240xf32>
    %mul3A_549 = vector.broadcast %slice3A_547 : vector<1x10240xf32> to vector<5x10240xf32>
    %mul3A_550 = arith.mulf %mul3A_548, %mul3A_549 : vector<5x10240xf32>
    %add3A_551 = arith.addf %add3A_541, %mul3A_550 : vector<5x10240xf32>
    %get3A_552 = arith.constant 7 : index
    %get3A_553 = arith.constant 0 : index
    %get3A_554 = arith.constant 0 : index
    %get3A_555 = vector.load %arg10[%get3A_552, %get3A_553, %get3A_554] : memref<10x5x1xf32, #tpu.memory_space<vmem>>, vector<1x5x1xf32>
    %get3A_556 = vector.shape_cast %get3A_555 : vector<1x5x1xf32> to vector<5x1xf32>
    %slice3A_557 = vector.extract_strided_slice %concatenate3A_482 {offsets = [7, 0], sizes = [1, 10240], strides = [1, 1]} : vector<10x10240xf32> to vector<1x10240xf32>
    %mul3A_558 = vector.broadcast %get3A_556 : vector<5x1xf32> to vector<5x10240xf32>
    %mul3A_559 = vector.broadcast %slice3A_557 : vector<1x10240xf32> to vector<5x10240xf32>
    %mul3A_560 = arith.mulf %mul3A_558, %mul3A_559 : vector<5x10240xf32>
    %add3A_561 = arith.addf %add3A_551, %mul3A_560 : vector<5x10240xf32>
    %get3A_562 = arith.constant 8 : index
    %get3A_563 = arith.constant 0 : index
    %get3A_564 = arith.constant 0 : index
    %get3A_565 = vector.load %arg10[%get3A_562, %get3A_563, %get3A_564] : memref<10x5x1xf32, #tpu.memory_space<vmem>>, vector<1x5x1xf32>
    %get3A_566 = vector.shape_cast %get3A_565 : vector<1x5x1xf32> to vector<5x1xf32>
    %slice3A_567 = vector.extract_strided_slice %concatenate3A_482 {offsets = [8, 0], sizes = [1, 10240], strides = [1, 1]} : vector<10x10240xf32> to vector<1x10240xf32>
    %mul3A_568 = vector.broadcast %get3A_566 : vector<5x1xf32> to vector<5x10240xf32>
    %mul3A_569 = vector.broadcast %slice3A_567 : vector<1x10240xf32> to vector<5x10240xf32>
    %mul3A_570 = arith.mulf %mul3A_568, %mul3A_569 : vector<5x10240xf32>
    %add3A_571 = arith.addf %add3A_561, %mul3A_570 : vector<5x10240xf32>
    %get3A_572 = arith.constant 9 : index
    %get3A_573 = arith.constant 0 : index
    %get3A_574 = arith.constant 0 : index
    %get3A_575 = vector.load %arg10[%get3A_572, %get3A_573, %get3A_574] : memref<10x5x1xf32, #tpu.memory_space<vmem>>, vector<1x5x1xf32>
    %get3A_576 = vector.shape_cast %get3A_575 : vector<1x5x1xf32> to vector<5x1xf32>
    %slice3A_577 = vector.extract_strided_slice %concatenate3A_482 {offsets = [9, 0], sizes = [1, 10240], strides = [1, 1]} : vector<10x10240xf32> to vector<1x10240xf32>
    %mul3A_578 = vector.broadcast %get3A_576 : vector<5x1xf32> to vector<5x10240xf32>
    %mul3A_579 = vector.broadcast %slice3A_577 : vector<1x10240xf32> to vector<5x10240xf32>
    %mul3A_580 = arith.mulf %mul3A_578, %mul3A_579 : vector<5x10240xf32>
    %add3A_581 = arith.addf %add3A_571, %mul3A_580 : vector<5x10240xf32>
    %get3A_582 = arith.constant 0 : index
    %get3A_583 = arith.constant 0 : index
    %get3A_584 = vector.load %arg11[%get3A_582, %get3A_583] : memref<5x1xf32, #tpu.memory_space<vmem>>, vector<5x1xf32>
    %add3A_585 = vector.broadcast %get3A_584 : vector<5x1xf32> to vector<5x10240xf32>
    %add3A_586 = arith.addf %add3A_581, %add3A_585 : vector<5x10240xf32>
    %mul3A_587 = vector.broadcast %select_n3A : vector<1x10240xf32> to vector<5x10240xf32>
    %mul3A_588 = arith.mulf %add3A_586, %mul3A_587 : vector<5x10240xf32>
    %get3A_589 = arith.constant 0 : index
    %get3A_590 = arith.constant 0 : index
    %get3A_591 = arith.constant 0 : index
    %get3A_592 = vector.load %arg12[%get3A_589, %get3A_590, %get3A_591] : memref<5x10x1xf32, #tpu.memory_space<vmem>>, vector<1x10x1xf32>
    %get3A_593 = vector.shape_cast %get3A_592 : vector<1x10x1xf32> to vector<10x1xf32>
    %slice3A_594 = vector.extract_strided_slice %mul3A_588 {offsets = [0, 0], sizes = [1, 10240], strides = [1, 1]} : vector<5x10240xf32> to vector<1x10240xf32>
    %mul3A_595 = vector.broadcast %get3A_593 : vector<10x1xf32> to vector<10x10240xf32>
    %mul3A_596 = vector.broadcast %slice3A_594 : vector<1x10240xf32> to vector<10x10240xf32>
    %mul3A_597 = arith.mulf %mul3A_595, %mul3A_596 : vector<10x10240xf32>
    %get3A_598 = arith.constant 1 : index
    %get3A_599 = arith.constant 0 : index
    %get3A_600 = arith.constant 0 : index
    %get3A_601 = vector.load %arg12[%get3A_598, %get3A_599, %get3A_600] : memref<5x10x1xf32, #tpu.memory_space<vmem>>, vector<1x10x1xf32>
    %get3A_602 = vector.shape_cast %get3A_601 : vector<1x10x1xf32> to vector<10x1xf32>
    %slice3A_603 = vector.extract_strided_slice %mul3A_588 {offsets = [1, 0], sizes = [1, 10240], strides = [1, 1]} : vector<5x10240xf32> to vector<1x10240xf32>
    %mul3A_604 = vector.broadcast %get3A_602 : vector<10x1xf32> to vector<10x10240xf32>
    %mul3A_605 = vector.broadcast %slice3A_603 : vector<1x10240xf32> to vector<10x10240xf32>
    %mul3A_606 = arith.mulf %mul3A_604, %mul3A_605 : vector<10x10240xf32>
    %add3A_607 = arith.addf %mul3A_597, %mul3A_606 : vector<10x10240xf32>
    %get3A_608 = arith.constant 2 : index
    %get3A_609 = arith.constant 0 : index
    %get3A_610 = arith.constant 0 : index
    %get3A_611 = vector.load %arg12[%get3A_608, %get3A_609, %get3A_610] : memref<5x10x1xf32, #tpu.memory_space<vmem>>, vector<1x10x1xf32>
    %get3A_612 = vector.shape_cast %get3A_611 : vector<1x10x1xf32> to vector<10x1xf32>
    %slice3A_613 = vector.extract_strided_slice %mul3A_588 {offsets = [2, 0], sizes = [1, 10240], strides = [1, 1]} : vector<5x10240xf32> to vector<1x10240xf32>
    %mul3A_614 = vector.broadcast %get3A_612 : vector<10x1xf32> to vector<10x10240xf32>
    %mul3A_615 = vector.broadcast %slice3A_613 : vector<1x10240xf32> to vector<10x10240xf32>
    %mul3A_616 = arith.mulf %mul3A_614, %mul3A_615 : vector<10x10240xf32>
    %add3A_617 = arith.addf %add3A_607, %mul3A_616 : vector<10x10240xf32>
    %get3A_618 = arith.constant 3 : index
    %get3A_619 = arith.constant 0 : index
    %get3A_620 = arith.constant 0 : index
    %get3A_621 = vector.load %arg12[%get3A_618, %get3A_619, %get3A_620] : memref<5x10x1xf32, #tpu.memory_space<vmem>>, vector<1x10x1xf32>
    %get3A_622 = vector.shape_cast %get3A_621 : vector<1x10x1xf32> to vector<10x1xf32>
    %slice3A_623 = vector.extract_strided_slice %mul3A_588 {offsets = [3, 0], sizes = [1, 10240], strides = [1, 1]} : vector<5x10240xf32> to vector<1x10240xf32>
    %mul3A_624 = vector.broadcast %get3A_622 : vector<10x1xf32> to vector<10x10240xf32>
    %mul3A_625 = vector.broadcast %slice3A_623 : vector<1x10240xf32> to vector<10x10240xf32>
    %mul3A_626 = arith.mulf %mul3A_624, %mul3A_625 : vector<10x10240xf32>
    %add3A_627 = arith.addf %add3A_617, %mul3A_626 : vector<10x10240xf32>
    %get3A_628 = arith.constant 4 : index
    %get3A_629 = arith.constant 0 : index
    %get3A_630 = arith.constant 0 : index
    %get3A_631 = vector.load %arg12[%get3A_628, %get3A_629, %get3A_630] : memref<5x10x1xf32, #tpu.memory_space<vmem>>, vector<1x10x1xf32>
    %get3A_632 = vector.shape_cast %get3A_631 : vector<1x10x1xf32> to vector<10x1xf32>
    %slice3A_633 = vector.extract_strided_slice %mul3A_588 {offsets = [4, 0], sizes = [1, 10240], strides = [1, 1]} : vector<5x10240xf32> to vector<1x10240xf32>
    %mul3A_634 = vector.broadcast %get3A_632 : vector<10x1xf32> to vector<10x10240xf32>
    %mul3A_635 = vector.broadcast %slice3A_633 : vector<1x10240xf32> to vector<10x10240xf32>
    %mul3A_636 = arith.mulf %mul3A_634, %mul3A_635 : vector<10x10240xf32>
    %add3A_637 = arith.addf %add3A_627, %mul3A_636 : vector<10x10240xf32>
    %get3A_638 = arith.constant 0 : index
    %get3A_639 = arith.constant 0 : index
    %get3A_640 = vector.load %arg13[%get3A_638, %get3A_639] : memref<10x1xf32, #tpu.memory_space<vmem>>, vector<10x1xf32>
    %add3A_641 = vector.broadcast %get3A_640 : vector<10x1xf32> to vector<10x10240xf32>
    %add3A_642 = arith.addf %add3A_637, %add3A_641 : vector<10x10240xf32>
    %reduce_max3A = arith.constant dense<0xFF800000> : vector<10240xf32>
    %reduce_max3A_643 = vector.multi_reduction <maximumf>, %add3A_642, %reduce_max3A [0] : vector<10x10240xf32> to vector<10240xf32>
    %broadcast_in_dim3A_644 = vector.shape_cast %reduce_max3A_643 : vector<10240xf32> to vector<1x10240xf32>
    %sub3A = vector.broadcast %broadcast_in_dim3A_644 : vector<1x10240xf32> to vector<10x10240xf32>
    %sub3A_645 = arith.subf %add3A_642, %sub3A : vector<10x10240xf32>
    %exp3A = math.exp %sub3A_645 : vector<10x10240xf32>
    %reduce_sum3A = arith.constant dense<0.000000e+00> : vector<10240xf32>
    %reduce_sum3A_646 = vector.multi_reduction <add>, %exp3A, %reduce_sum3A [0] : vector<10x10240xf32> to vector<10240xf32>
    %broadcast_in_dim3A_647 = vector.shape_cast %reduce_sum3A_646 : vector<10240xf32> to vector<1x10240xf32>
    %div3A_648 = vector.broadcast %broadcast_in_dim3A_647 : vector<1x10240xf32> to vector<10x10240xf32>
    %div3A_649 = arith.divf %exp3A, %div3A_648 : vector<10x10240xf32>
    %swap3A = arith.constant 0 : index
    %swap3A_650 = arith.constant 0 : index
    %swap3A_651 = vector.load %arg14[%swap3A, %swap3A_650] : memref<10x10240xf32, #tpu.memory_space<vmem>>, vector<10x10240xf32>
    tpu.vector_store %arg14[%swap3A, %swap3A_650], %div3A_649 {strides = array<i32>} : memref<10x10240xf32, #tpu.memory_space<vmem>>, vector<10x10240xf32>,
    return
  }
}

</mosaic_0001>

<sc_bundles>
// kernel: kernel.4.cloned.1.call-start
scs
__scs_entry_jumppad:
0x0: {  	(pc) =	sbr.rel $0x88, $3  }
0x1: {  	(tag) =	ssettag $0x0;
	lr =	simm.s32 $0x1  }
0x2: {  	[smem:$0x3F91] =	sst lr;
	_ =	strace $0xD0000000  }
0x3: {  	_ = 	snop  }
0x4: {  	_ = 	snop  }
0x5: {  	_ = 	snop  }
0x6: {  	_ = 	snop  }
0x7: {  	_ = 	snop  }
__scs_overlays_trampoline_lowered:
0x8: {  	[smem:$0x3FA0] =	sst s0  }
0x9: {  	[smem:$0x3FA1] =	sst s1  }
0xa: {  	[smem:$0x3FA2] =	sst s2  }
0xb: {  	[smem:$0x3FA3] =	sst s3  }
0xc: {  	[smem:$0x3FA4] =	sst s4  }
0xd: {  	[smem:$0x3FA5] =	sst s5  }
0xe: {  	[smem:$0x3FA6] =	sst s6  }
0xf: {  	[smem:$0x3FA7] =	sst s7  }
0x10: {  	[smem:$0x3FA8] =	sst s8  }
0x11: {  	[smem:$0x3FA9] =	sst s9;
	s0 =	simm.s32 @!p0 $0x0  }
0x12: {  	s1 =	sld [smem:$0x3F8F];
	s0 =	simm.s32 @p0 $0x1  }
0x13: {  	[smem:$0x3FAA] =	sst s0;
	s0 =	simm.s32 @!p1 $0x0  }
0x14: {  	s2 =	sld [smem:$0x3F8E];
	s0 =	simm.s32 @p1 $0x1  }
0x15: {  	[smem:$0x3FAB] =	sst s0;
	s0 =	simm.s32 @!p2 $0x0  }
0x16: {  	s3 =	sld [smem:$0x3FDB];
	s0 =	simm.s32 @p2 $0x1  }
0x17: {  	s4 =	simm.s32 $0x1BF5;
	[smem:$0x3FAD] =	sst s0  }
0x18: {  	s0 =	sld [smem:$0x3F90];
	_ =	swait.ge [sflag:s4], $0x0  }
0x19: {  	s7 =	sld [smem:$0x3F91]  }
0x1a: {  	s8 =	sadd.s32 $0xFFFFE003, lr  }
0x1b: {  	s9 =	sadd.s32 $0xFFFFFEF7, lr;
	s5 =	simm.s32 $0xFFFFFFFF;
	p2 =	slt.u32 s8, $0xFFFFF086  }
0x1c: {  	p1 =	slt.u32 s9, $0xF7A;
	s5 =	simm.s32 @!p2 $0x0  }
0x1d: {  	s5 =	simm.s32 @p1 $0x1;
	p0 =	seq.s32 s7, s2  }
0x1e: {  	s7 =	smul.u32 @!p0 $0xF7A, s2;
	p2 =	seq.s32 @!p0 s5, $0x0  }
0x1f: {  	s9 =	smul.u32 $0xF7A, s1;
	s8 =	simm.s32 @!p0 $0x1BF5;
	p2 =	por !p2, p0  }
0x20: {  	[sflag:s8] =	ssyncset.s32 @!p0 $0xFFFFF086;
	s6 =	sadd.s32 @!p0 s3, s7;
	s7 =	simm.s32 @!p0 $0x108  }
0x21: {  	s3 =	sadd.s32 s3, s9;
	s6 =	sadd.s32 @!p0 $0x88, s6;
	s7 =	simm.s32 @p2 $0x1082  }
0x22: {  	[simem:s7], [sflag:s8] =	dma.local @!p0 [hbm:s6], $0xF7A  }
0x23: {  	s9 =	sor.u32 $0xD0000000, s2;
	s6 =	simm.s32 $0x108;
	_ =	swait.ge @!p0 [sflag:s8], $0x0  }
0x24: {  	s3 =	sadd.s32 $0x88, s3;
	s6 =	simm.s32 @!p1 $0x1082;
	[sflag:s4] =	ssyncset.s32 $0xFFFFF086  }
0x25: {  	[simem:s6], [sflag:s4] =	dma.local [hbm:s3], $0xF7A  }
0x26: {  	[smem:$0x3F91] =	sst s1;
	(tag) =	ssettag s2;
	_ =	strace s9  }
0x27: {  	s1 =	sld [smem:$0x3FA1]  }
0x28: {  	s2 =	sld [smem:$0x3FA2]  }
0x29: {  	s4 =	sld [smem:$0x3FA4]  }
0x2a: {  	p0 =	seq.s32 s5, $0x0;
	s5 =	sld [smem:$0x3FA5]  }
0x2b: {  	s6 =	sld [smem:$0x3FA6]  }
0x2c: {  	s7 =	sld [smem:$0x3FA7]  }
0x2d: {  	s3 =	simm.s32 $0x108;
	s8 =	sld [smem:$0x3FA8]  }
0x2e: {  	s3 =	simm.s32 @!p0 $0x1082;
	s9 =	sld [smem:$0x3FA9]  }
0x2f: {  	lr =	sadd.s32 s0, s3;
	s0 =	sld [smem:$0x3FA0]  }
0x30: {  	s3 =	sld [smem:$0x3FA3]  }
0x31: {  	[smem:$0x3FAC] =	sst s10  }
0x32: {  	s10 =	sld [smem:$0x3FAA];
	_ =	sdelay $0x3  }
0x33: {  	p0 =	seq.s32 s10, $0x1;
	s10 =	sld [smem:$0x3FAC];
	_ =	sdelay $0x3  }
0x34: {  	[smem:$0x3FAC] =	sst s10  }
0x35: {  	s10 =	sld [smem:$0x3FAB];
	_ =	sdelay $0x3  }
0x36: {  	p1 =	seq.s32 s10, $0x1;
	s10 =	sld [smem:$0x3FAC];
	_ =	sdelay $0x3  }
0x37: {  	[smem:$0x3FAC] =	sst s10  }
0x38: {  	s10 =	sld [smem:$0x3FAD]  }
0x39: {  	_ = 	snop;
	(pc) =	sbr.ind lr, $3  }
0x3a: {  	_ = 	snop  }
0x3b: {  	_ = 	snop  }
0x3c: {  	p2 =	seq.s32 s10, $0x1;
	s10 =	sld [smem:$0x3FAC]  }
0x3d: {  	_ =	shalt  }
0x3e: {  	_ =	shalt  }
0x3f: {  	_ =	shalt  }
0x40: {  	_ =	shalt  }
0x41: {  	_ =	shalt  }
0x42: {  	_ =	shalt  }
0x43: {  	_ =	shalt  }
0x44: {  	_ =	shalt  }
0x45: {  	_ =	shalt  }
0x46: {  	_ =	shalt  }
0x47: {  	_ =	shalt  }
0x48: {  	_ =	shalt  }
0x49: {  	_ =	shalt  }
0x4a: {  	_ =	shalt  }
0x4b: {  	_ =	shalt  }
0x4c: {  	_ =	shalt  }
0x4d: {  	_ =	shalt  }
0x4e: {  	_ =	shalt  }
0x4f: {  	_ =	shalt  }
0x50: {  	_ =	shalt  }
0x51: {  	_ =	shalt  }
0x52: {  	_ =	shalt  }
0x53: {  	_ =	shalt  }
0x54: {  	_ =	shalt  }
0x55: {  	_ =	shalt  }
0x56: {  	_ =	shalt  }
0x57: {  	_ =	shalt  }
0x58: {  	_ =	shalt  }
0x59: {  	_ =	shalt  }
0x5a: {  	_ =	shalt  }
0x5b: {  	_ =	shalt  }
0x5c: {  	_ =	shalt  }
0x5d: {  	_ =	shalt  }
0x5e: {  	_ =	shalt  }
0x5f: {  	_ =	shalt  }
0x60: {  	_ =	shalt  }
0x61: {  	_ =	shalt  }
0x62: {  	_ =	shalt  }
0x63: {  	_ =	shalt  }
0x64: {  	_ =	shalt  }
0x65: {  	_ =	shalt  }
0x66: {  	_ =	shalt  }
0x67: {  	_ =	shalt  }
0x68: {  	_ =	shalt  }
0x69: {  	_ =	shalt  }
0x6a: {  	_ =	shalt  }
0x6b: {  	_ =	shalt  }
0x6c: {  	_ =	shalt  }
0x6d: {  	_ =	shalt  }
0x6e: {  	_ =	shalt  }
0x6f: {  	_ =	shalt  }
0x70: {  	_ =	shalt  }
0x71: {  	_ =	shalt  }
0x72: {  	_ =	shalt  }
0x73: {  	_ =	shalt  }
0x74: {  	_ =	shalt  }
0x75: {  	_ =	shalt  }
0x76: {  	_ =	shalt  }
0x77: {  	_ =	shalt  }
0x78: {  	_ =	shalt  }
0x79: {  	_ =	shalt  }
0x7a: {  	_ =	shalt  }
0x7b: {  	_ =	shalt  }
0x7c: {  	_ =	shalt  }
0x7d: {  	_ =	shalt  }
0x7e: {  	_ =	shalt  }
0x7f: {  	_ =	shalt  }
0x80: {  	_ =	shalt  }
0x81: {  	_ =	shalt  }
0x82: {  	_ =	shalt  }
0x83: {  	_ =	shalt  }
0x84: {  	_ =	shalt  }
0x85: {  	_ =	shalt  }
0x86: {  	_ =	shalt  }
0x87: {  	_ =	shalt  }
.Lfunc_end0:
.L_simem_size_0:
called_computation_lowered:
.L_overlay_start_0:
0x88: {  	s2 =	sld [smem:$0x3FD9]  }
0x89: {  	s3 =	sld [smem:$0x3FFE];
	_ =	sdelay $0x1  }
0x8a: {  	s1 =	srdreg.scid  }
0x8b: {  	s0 =	sand.u32 $0x1, s1  }
0x8c: {  	s17 =	sshll.u32 s0, $0xA;
	s2 =	sadd.s32 s3, s2  }
0x8d: {  	s2 =	sadd.s32 s2, s17  }
0x8e: {  	[smem:$0x3FB8] =	sst s2  }
0x8f: {  	_ = 	snop  }
0x90: {  	s2 =	sld [smem:$0x3FD0];
	(tm) =	ssettm $0x1  }
0x91: {  	s18 =	sld [smem:$0x3FFB];
	_ =	sdelay $0x3  }
0x92: {  	_ =	strace s18  }
0x93: {  	s3 =	sld [smem:$0x3FFC];
	_ =	sdelay $0x3  }
0x94: {  	_ =	strace s3  }
0x95: {  	s3 =	sld [smem:$0x3FFD];
	_ =	sdelay $0x3  }
0x96: {  	_ =	strace s3  }
0x97: {  	_ =	strace $0x8FFFFFFF  }
0x98: {  	s19 =	sld [smem:$0x3FDB];
	_ =	sdelay $0x1  }
0x99: {  	s4 =	simm.s32 $_scs_section_size  }
0x9a: {  	s5 =	simm.s32 $_size__tile_overlayer_lowered;
	s6 =	simm.s32 $_tile_overlayer_lowered  }
0x9b: {  	s22 =	simm.s32 $0x1BFF;
	s21 =	sshll.u32 s6, $0x1;
	s3 =	sadd.s32 s4, s19  }
0x9c: {  	s7 =	simm.s32 $0x0;
	s20 =	sshll.u32 s5, $0x1;
	s5 =	sadd.s32 s21, s3  }
0x9d: {  	[timem:s7], [sflag:s22] =	dma.local [hbm:s5], s20  }
0x9e: {  	_ =	swait.ge [sflag:s22], s20  }
0x9f: {  	s4 =	ssub.s32 $0x0, s20;
	[sflag:s22] =	ssyncset.done $0x0  }
0xa0: {  	[sflag:s22] =	ssyncadd.s32 s4;
	_ =	sdelay $0x1  }
0xa1: {  	s23 =	simm.s32 $0x1B8B  }
0xa2: {  	_ =	swait.ge [sflag:s23], $0x1  }
0xa3: {  	[sflag:s23] =	ssyncset.done $0x0  }
0xa4: {  	s25 =	simm.s32 $0x1B8E;
	s24 =	sld [smem:$0x3FFE];
	[sflag:s23] =	ssyncadd.s32 $0xFFFFFFFF  }
0xa5: {  	s26 =	simm.s32 $execute0_lowered;
	[smem:$0x3FD2] =	sst s25  }
0xa6: {  	s5 =	sshll.u32 s26, $0x1;
	_ =	strace $0x80000046;
	[dreg:$0x1] =	wrdreg $0xFFFFFFFF  }
0xa7: {  	s28 =	simm.s32 $_size_execute0_lowered;
	s3 =	sadd.s32 s3, s5;
	[dreg:$0x0] =	wrdreg $0x0  }
0xa8: {  	s5 =	sshll.u32 s28, $0x1;
	[dreg:$0x2] =	wrdreg s3  }
0xa9: {  	[dreg:$0x3] =	wrdreg s5  }
0xaa: {  	[dreg:$0x4] =	wrdreg $0xC0  }
0xab: {  	_ =	task [dreg:s7], $0x5FFFF  }
0xac: {  	[dreg:$0x1] =	wrdreg $0xFFFFFFFF  }
0xad: {  	[dreg:$0x0] =	wrdreg $0x60  }
0xae: {  	[dreg:$0x2] =	wrdreg s24  }
0xaf: {  	[dreg:$0x3] =	wrdreg s2  }
0xb0: {  	[dreg:$0x4] =	wrdreg $0x6000  }
0xb1: {  	[dreg:$0x5] =	wrdreg $0x8800  }
0xb2: {  	[dreg:$0x6] =	wrdreg $0xB000  }
0xb3: {  	[dreg:$0x7] =	wrdreg $0xD800  }
0xb4: {  	[dreg:$0x8] =	wrdreg $0x9  }
0xb5: {  	_ =	task.clear_ibuf [dreg:s7], $0x9FFFF;
	_ =	strace $0x90000046  }
0xb6: {  	s29 =	simm.s32 $0x9;
	_ =	strace $0x80000048  }
0xb7: {  	_ =	swait.ge [sflag:s29], $0x1  }
0xb8: {  	[sflag:s29] =	ssyncadd.s32 $0xFFFFFFFF  }
0xb9: {  	_ =	strace $0x90000048  }
0xba: {  	_ =	sfence  }
0xbb: {  	s30 =	sld [smem:$0x0];
	_ =	sdelay $0x2  }
0xbc: {  	s31 =	sshll.u32 s1, $0xD;
	s1 =	sshrl.u32 s1, $0x2  }
0xbd: {  	s3 =	sand.u32 $0x4000, s31;
	s1 =	sadd.s32 s1, s30  }
0xbe: {  	s0 =	sor.u32 s3, s0;
	s1 =	sshll.u32 s1, $0x11  }
0xbf: {  	s0 =	sor.u32 s1, s0  }
0xc0: {  	s0 =	sadd.s32 $0x8F2B, s0  }
0xc1: {  	[sflag:s0] =	ssyncadd.remote.s32 $0x1  }
0xc2: {  	_ =	sfence.sel $0xFFFF  }
0xc3: {  	[dreg:$0x0] =	wrdreg $0xFFFFFFFF;
	(pc) =	sbr.abs _section_cstart, $3  }
0xc4: {  	[dreg:$0x1] =	wrdreg $0xFFFFFFFF  }
0xc5: {  	_ =	task.clear_ibuf [dreg:s7], $0x2FFFF;
	_ =	strace $0x9FFFFFFF  }
0xc6: {  	(tm) =	ssettm $0x7FFFFFFF  }
0xc7: {  	_ =	shalt  }
tec
execute0_lowered:
.L_overlay_start_1:
0x0: {  	(tag) =	ssettag $0x1  }
0x1: {  	s0 =	rddreg [dreg:$0x0]  }
0x2: {  	s6 =	rddreg [dreg:$0x1]  }
0x3: {  	s1 =	rddreg [dreg:$0x2]  }
0x4: {  	s2 =	rddreg [dreg:$0x3]  }
0x5: {  	s3 =	rddreg [dreg:$0x4]  }
0x6: {  	s4 =	rddreg [dreg:$0x5];
	s5 =	simm.s32 $0x0;
	s9 =	srdreg.scid  }
0x7: {  	s17 =	stileid.u32;
	s28 =	simm.s32 $0x200;
	s29 =	simm.s32 $0x280  }
0x8: {  	s30 =	simm.s32 $0x300;
	s31 =	simm.s32 $0x380;
	[smem:$0x7FF] =	sst s5  }
0x9: {  	s7 =	sadd.s32 $0x1A00, s0;
	s8 =	sadd.s32 $0x2000, s0;
	s10 =	sand.u32 $0x1, s9  }
0xa: {  	s12 =	smul.u32 $0x280, s17;
	s9 =	sadd.s32 $0x1400, s0;
	s25 =	sshll.u32 s17, $0x6  }
0xb: {  	_ =	strace $0x80000047;
	s11 =	smul.u32 $0x2800, s10;
	s13 =	ssub.s32 $0x2, s10  }
0xc: {  	s10 =	smul.u32 $0xA000, s10;
	s14 =	sshrl.u32 s12, $0x3;
	s15 =	sshrl.u32 s13, $0x1  }
0xd: {  	s18 =	sadd.s32 s12, s2;
	s21 =	sadd.s32 s12, s3;
	s22 =	sadd.s32 s12, s4  }
0xe: {  	s16 =	sadd.s32 s11, s0;
	s0 =	sadd.s32 s14, s0;
	s13 =	ssub.s32 s13, s15  }
0xf: {  	s14 =	sadd.s32 s12, s1;
	s26 =	sadd.s32 s12, s10;
	[dreg:$0x7] =	wrdreg s21  }
0x10: {  	s11 =	sor.u32 $0x1C02, s25;
	[dreg:$0x9] =	wrdreg s22;
	s22 =	simm.s32 $0x2  }
0x11: {  	s10 =	sadd.s32 $0xC600, s0;
	s15 =	sshrl.u32 s26, $0x3;
	s25 =	smax.u32 s13, $0x1  }
0x12: {  	s26 =	sadd.s32 s12, s16;
	s21 =	sshrl.u32 s14, $0x3;
	s13 =	sshrl.u32 s18, $0x3  }
0x13: {  	s12 =	simm.s32 $0x480;
	s14 =	simm.s32 $0x500;
	s16 =	simm.s32 $0x0  }
0x14: {  	s0 =	sadd.s32 s6, s15;
	[dreg:$0xd] =	wrdreg s25;
	s19 =	sadd.s32 $0x7600, s26  }
0x15: {  	s20 =	sadd.s32 $0x2600, s26;
	s25 =	simm.s32 $0x100;
	[dreg:$0xe] =	wrdreg s13  }
0x16: {  	s26 =	simm.s32 $0x180;
	s23 =	sadd.s32 $0x500, s0;
	[dreg:$0x8] =	wrdreg s0  }
0x17: {  	s6 =	simm.s32 $0x400;
	s24 =	sadd.s32 $0xA00, s0;
	[dreg:$0xa] =	wrdreg s23  }
0x18: {  	s15 =	simm.s32 $0x580;
	s0 =	sadd.s32 $0xF00, s0;
	[dreg:$0xb] =	wrdreg s24  }
0x19: {  	v0 =	vimm.f32 $1.000000000e+00;
	[dreg:$0xc] =	wrdreg s0;
	s24 =	simm.s32 $0x80;
	s0 =	simm.s32 $0x1  }
.LBB2_1:
0x1a: {  	[spmem:s21], [sflag:s11] =	dma.local [hbm:s10], $0x50  }
0x1b: {  	_ =	swait.ge [sflag:s22], $0x50  }
0x1c: {  	[sflag:s22] =	ssyncset.done $0x0  }
0x1d: {  	[sflag:s22] =	ssyncadd.s32 $0xFFFFFFB0  }
0x1e: {  	[spmem:s13], [sflag:s11] =	dma.local [hbm:s10], $0x50  }
0x1f: {  	_ =	swait.ge [sflag:s22], $0x50  }
0x20: {  	[sflag:s22] =	ssyncset.done $0x0;
	s18 =	rddreg [dreg:$0x7]  }
0x21: {  	[sflag:s22] =	ssyncadd.s32 $0xFFFFFFB0;
	s17 =	sshrl.u32 s18, $0x3  }
0x22: {  	[spmem:s17], [sflag:s11] =	dma.local [hbm:s10], $0x50  }
0x23: {  	_ =	swait.ge [sflag:s22], $0x50  }
0x24: {  	s23 =	smov.u32 s21;
	[sflag:s22] =	ssyncset.done $0x0;
	s21 =	rddreg [dreg:$0x9]  }
0x25: {  	[sflag:s22] =	ssyncadd.s32 $0xFFFFFFB0;
	s18 =	sshrl.u32 s21, $0x3  }
0x26: {  	[spmem:s18], [sflag:s11] =	dma.local [hbm:s10], $0x50  }
0x27: {  	_ =	swait.ge [sflag:s22], $0x50  }
0x28: {  	[sflag:s22] =	ssyncset.done $0x0  }
0x29: {  	[sflag:s22] =	ssyncadd.s32 $0xFFFFFFB0  }
0x2a: {  	[tilespmem:$0x580] =	vst v0  }
0x2b: {  	[tilespmem:$0x590] =	vst v0  }
0x2c: {  	[tilespmem:$0x5A0] =	vst v0  }
0x2d: {  	[tilespmem:$0x5B0] =	vst v0  }
0x2e: {  	[tilespmem:$0x5C0] =	vst v0  }
0x2f: {  	[tilespmem:$0x5D0] =	vst v0  }
0x30: {  	[tilespmem:$0x5E0] =	vst v0  }
0x31: {  	[tilespmem:$0x5F0] =	vst v0  }
0x32: {  	s13 =	simm.s32 $0x0;
	[bflag:$0x0] =	sbarrier.arrive $0xFFFF  }
.LBB2_2:
0x33: {  	s21 =	sadd.s32 s13, s20  }
0x34: {  	[tilespmem:s5], [sflag:$0x2] =	stream.linear.gather [hbm4b:s21+s5], $0x80, $0x38;
	[tilespmem:$0x1000] =	vst v63  }
0x35: {  	_ =	swait.ge [sflag:s22], $0x80  }
0x36: {  	[sflag:s22] =	ssyncset.done $0x0  }
0x37: {  	s21 =	sadd.s32 s13, s19;
	[sflag:s22] =	ssyncadd.s32 $0xFFFFFF80  }
0x38: {  	[tilespmem:s24], [sflag:$0x2] =	stream.linear.gather [hbm4b:s21+s5], $0x80, $0x38;
	[tilespmem:$0x1000] =	vst v63  }
0x39: {  	_ =	swait.ge [sflag:s22], $0x80  }
0x3a: {  	[sflag:s22] =	ssyncset.done $0x0  }
0x3b: {  	[sflag:s22] =	ssyncadd.s32 $0xFFFFFF80  }
0x3c: {  	[tilespmem:s25], [sflag:$0x1] =	stream.indirect.gather [hbm4b:s7+s24], $0x1, s5, s24, $0xb8;
	[tilespmem:$0x1000] =	vst v63  }
0x3d: {  	_ = 	snop  }
0x3e: {  	[tilespmem:s26], [sflag:$0x1] =	stream.indirect.gather [hbm4b:s8+s24], $0x1, s5, s24, $0xb8;
	[tilespmem:$0x1000] =	vst v63  }
0x3f: {  	_ = 	snop  }
0x40: {  	[tilespmem:s28], [sflag:$0x1] =	stream.indirect.gather [hbm4b:s9+s24], $0x1, s5, s24, $0xb8;
	[tilespmem:$0x1000] =	vst v63  }
0x41: {  	_ = 	snop  }
0x42: {  	[tilespmem:s29], [sflag:$0x1] =	stream.indirect.gather [hbm4b:s7+s24], $0x1, s24, s24, $0xb8;
	[tilespmem:$0x1000] =	vst v63  }
0x43: {  	_ = 	snop  }
0x44: {  	[tilespmem:s30], [sflag:$0x1] =	stream.indirect.gather [hbm4b:s8+s24], $0x1, s24, s24, $0xb8;
	[tilespmem:$0x1000] =	vst v63  }
0x45: {  	_ = 	snop  }
0x46: {  	[tilespmem:s31], [sflag:$0x1] =	stream.indirect.gather [hbm4b:s9+s24], $0x1, s24, s24, $0xb8;
	[tilespmem:$0x1000] =	vst v63  }
0x47: {  	_ =	swait.ge [sflag:s0], $0x80  }
0x48: {  	[sflag:s0] =	ssyncset.done $0x0  }
0x49: {  	[sflag:s0] =	ssyncadd.s32 $0xFFFFFF80  }
0x4a: {  	_ =	swait.ge [sflag:s0], $0x80  }
0x4b: {  	[sflag:s0] =	ssyncset.done $0x0  }
0x4c: {  	[sflag:s0] =	ssyncadd.s32 $0xFFFFFF80  }
0x4d: {  	_ =	swait.ge [sflag:s0], $0x80  }
0x4e: {  	[sflag:s0] =	ssyncset.done $0x0  }
0x4f: {  	[sflag:s0] =	ssyncadd.s32 $0xFFFFFF80  }
0x50: {  	_ =	swait.ge [sflag:s0], $0x80  }
0x51: {  	[sflag:s0] =	ssyncset.done $0x0  }
0x52: {  	[sflag:s0] =	ssyncadd.s32 $0xFFFFFF80  }
0x53: {  	_ =	swait.ge [sflag:s0], $0x80  }
0x54: {  	[sflag:s0] =	ssyncset.done $0x0  }
0x55: {  	[sflag:s0] =	ssyncadd.s32 $0xFFFFFF80  }
0x56: {  	_ =	swait.ge [sflag:s0], $0x80  }
0x57: {  	[sflag:s0] =	ssyncset.done $0x0  }
0x58: {  	[sflag:s0] =	ssyncadd.s32 $0xFFFFFF80  }
0x59: {  	v1 =	vld [tilespmem:$0x280]  }
0x5a: {  	v2 =	vld [tilespmem:$0x100]  }
0x5b: {  	v3 =	vld [tilespmem:$0x300]  }
0x5c: {  	v4 =	vld [tilespmem:$0x180]  }
0x5d: {  	v5 =	vld [tilespmem:$0x380]  }
0x5e: {  	v6 =	vld [tilespmem:$0x200]  }
0x5f: {  	v7 =	vld [tilespmem:$0x290]  }
0x60: {  	v8 =	vld [tilespmem:$0x110]  }
0x61: {  	v9 =	vld [tilespmem:$0x310]  }
0x62: {  	v10 =	vld [tilespmem:$0x190]  }
0x63: {  	v12 =	vld [tilespmem:$0x2A0]  }
0x64: {  	v13 =	vld [tilespmem:$0x120]  }
0x65: {  	v11 =	vsub.f32 v1, v2;
	v1 =	vld [tilespmem:$0x390]  }
0x66: {  	v4 =	vsub.f32 v3, v4;
	v2 =	vld [tilespmem:$0x210]  }
0x67: {  	v14 =	vld [tilespmem:$0x320]  }
0x68: {  	v35 =	vld [tilespmem:$0x1A0];
	v5 =	vsub.f32 v5, v6;
	v3 =	vmul.f32 v11, v11;
	v33 =	vmul.f32 v4, v4  }
0x69: {  	v36 =	vld [tilespmem:$0x3A0];
	v7 =	vsub.f32 v7, v8  }
0x6a: {  	v15 =	vld [tilespmem:$0x220];
	v8 =	vsub.f32 v9, v10;
	v34 =	vmul.f32 v5, v5;
	v3 =	vadd.f32 v33, v3  }
0x6b: {  	v10 =	vsub.f32 v1, v2  }
0x6c: {  	v1 =	vmul.f32 v7, v7;
	v2 =	vmul.f32 v8, v8;
	v3 =	vadd.f32 v34, v3  }
0x6d: {  	v12 =	vsub.f32 v12, v13  }
0x6e: {  	v1 =	vadd.f32 v2, v1;
	v2 =	vmul.f32 v10, v10;
	v3 =	vadd.f32 $9.999999960e-13, v3  }
0x6f: {  	v9 =	vsub.f32 v14, v35;
	v15 =	vsub.f32 v36, v15  }
0x70: {  	v1 =	vadd.f32 v2, v1;
	v16 =	vshra.s32 v3, $0x1;
	v38 =	vmul.f32 $5.000000000e-01, v3  }
0x71: {  	v2 =	vmul.f32 v12, v12;
	v3 =	vmul.f32 v9, v9;
	v37 =	vsub.s32 $0x5F3759DF, v16  }
0x72: {  	v1 =	vadd.f32 $9.999999960e-13, v1;
	v39 =	vmul.f32 v37, v38  }
0x73: {  	v2 =	vadd.f32 v3, v2;
	v3 =	vmul.f32 v15, v15  }
0x74: {  	v40 =	vshra.s32 v1, $0x1;
	v17 =	vmul.f32 $5.000000000e-01, v1;
	v6 =	vmul.f32 v37, v39  }
0x75: {  	v1 =	vadd.f32 v3, v2;
	v3 =	vsub.s32 $0x5F3759DF, v40  }
0x76: {  	v41 =	vld [tilespmem:$0x2B0];
	v16 =	vmul.f32 v3, v17;
	v2 =	vsub.f32 $1.500000000e+00, v6  }
0x77: {  	v18 =	vld [tilespmem:$0x130];
	v1 =	vadd.f32 $9.999999960e-13, v1  }
0x78: {  	v16 =	vmul.f32 v3, v16;
	v13 =	vmul.f32 v37, v2;
	v2 =	vld [tilespmem:$0x330]  }
0x79: {  	v19 =	vshra.s32 v1, $0x1;
	v20 =	vmul.f32 $5.000000000e-01, v1;
	v1 =	vld [tilespmem:$0x1B0]  }
0x7a: {  	v22 =	vld [tilespmem:$0x3B0];
	v19 =	vsub.s32 $0x5F3759DF, v19;
	v16 =	vsub.f32 $1.500000000e+00, v16  }
0x7b: {  	v24 =	vld [tilespmem:$0x230];
	v21 =	vmul.f32 v13, v38;
	v23 =	vmul.f32 v19, v20  }
0x7c: {  	v16 =	vmul.f32 v3, v16  }
0x7d: {  	v3 =	vsub.f32 v41, v18;
	v21 =	vmul.f32 v21, v13;
	v23 =	vmul.f32 v19, v23  }
0x7e: {  	v52 =	vld [tilespmem:$0x2C0];
	v1 =	vsub.f32 v2, v1;
	v43 =	vmul.f32 v16, v17  }
0x7f: {  	v53 =	vld [tilespmem:$0x140];
	v45 =	vmul.f32 v3, v3;
	v42 =	vsub.f32 $1.500000000e+00, v21;
	v44 =	vsub.f32 $1.500000000e+00, v23  }
0x80: {  	v54 =	vld [tilespmem:$0x340];
	v2 =	vsub.f32 v22, v24;
	v46 =	vmul.f32 v1, v1;
	v47 =	vmul.f32 v43, v16  }
0x81: {  	v55 =	vld [tilespmem:$0x1C0];
	v6 =	vmul.f32 v42, v13;
	v48 =	vmul.f32 v19, v44  }
0x82: {  	v26 =	vld [tilespmem:$0x3C0];
	v50 =	vmul.f32 v2, v2;
	v49 =	vadd.f32 v46, v45;
	v13 =	vsub.f32 $1.500000000e+00, v47  }
0x83: {  	v58 =	vld [tilespmem:$0x240];
	v14 =	vmul.f32 v6, v38;
	v51 =	vmul.f32 v48, v20  }
0x84: {  	v27 =	vld [tilespmem:$0x2D0];
	v19 =	vadd.f32 v50, v49;
	v13 =	vmul.f32 v13, v16  }
0x85: {  	v29 =	vld [tilespmem:$0x350];
	v14 =	vmul.f32 v14, v6;
	v22 =	vmul.f32 v51, v48  }
0x86: {  	v62 =	vld [tilespmem:$0x2E0];
	v19 =	vadd.f32 $9.999999960e-13, v19;
	v17 =	vmul.f32 v13, v17  }
0x87: {  	v63 =	vld [tilespmem:$0x160];
	v14 =	vsub.f32 $1.500000000e+00, v14;
	v22 =	vsub.f32 $1.500000000e+00, v22  }
0x88: {  	v60 =	vld [tilespmem:$0x1D0];
	v25 =	vshra.s32 v19, $0x1;
	v19 =	vmul.f32 $5.000000000e-01, v19;
	v56 =	vmul.f32 v17, v13  }
0x89: {  	v28 =	vld [tilespmem:$0x150];
	v6 =	vmul.f32 v14, v6;
	v57 =	vsub.s32 $0x5F3759DF, v25;
	v18 =	vmul.f32 v22, v48  }
0x8a: {  	v34 =	vld [tilespmem:$0x260];
	v59 =	vmul.f32 v57, v19;
	v14 =	vsub.f32 $1.500000000e+00, v56  }
0x8b: {  	v39 =	vld [tilespmem:$0x3E0];
	v6 =	vmul.f32 $1.732050780e+00, v6;
	v20 =	vmul.f32 v18, v20  }
0x8c: {  	v30 =	vld [tilespmem:$0x3D0];
	v16 =	vsub.f32 v62, v63;
	v22 =	vmul.f32 v57, v59;
	v13 =	vmul.f32 v14, v13  }
0x8d: {  	v32 =	vld [tilespmem:$0x250];
	v14 =	vsub.f32 v29, v60;
	v11 =	vmul.f32 v6, v11;
	v20 =	vmul.f32 v20, v18  }
0x8e: {  	v36 =	vld [tilespmem:$0x360];
	v31 =	vmul.f32 v6, v4;
	v33 =	vmul.f32 v6, v5;
	v5 =	vsub.f32 v52, v53  }
0x8f: {  	v38 =	vld [tilespmem:$0x1E0];
	v6 =	vsub.f32 v54, v55;
	v4 =	vsub.f32 v26, v58;
	v53 =	vmul.f32 v16, v16  }
0x90: {  	v41 =	vld [tilespmem:$0x2F0];
	v26 =	vsub.f32 v39, v34;
	v13 =	vmul.f32 $1.732050780e+00, v13;
	v44 =	vmul.f32 v14, v14  }
0x91: {  	v42 =	vld [tilespmem:$0x170];
	v22 =	vsub.f32 $1.500000000e+00, v22;
	v37 =	vmul.f32 v5, v5;
	v24 =	vmul.f32 v6, v6  }
0x92: {  	v50 =	vld [tilespmem:$0x3F0];
	v40 =	vmul.f32 v4, v4;
	v56 =	vmul.f32 v26, v26  }
0x93: {  	v51 =	vld [tilespmem:$0x270];
	v61 =	vsub.f32 $1.500000000e+00, v20;
	v17 =	vmul.f32 v57, v22;
	v7 =	vmul.f32 v13, v7  }
0x94: {  	v20 =	vsub.f32 v36, v38;
	v8 =	vmul.f32 v13, v8;
	v10 =	vmul.f32 v13, v10  }
0x95: {  	v13 =	vsub.f32 v27, v28;
	v28 =	vsub.f32 v30, v32;
	v18 =	vmul.f32 v61, v18  }
0x96: {  	v45 =	vld [tilespmem:$0x370];
	v23 =	vadd.f32 v24, v37;
	v54 =	vmul.f32 v20, v20;
	v35 =	vmul.f32 v17, v19  }
0x97: {  	v47 =	vld [tilespmem:$0x1F0];
	v24 =	vsub.f32 v41, v42;
	v43 =	vmul.f32 v13, v13;
	v49 =	vmul.f32 v28, v28  }
0x98: {  	v22 =	vsub.f32 v50, v51;
	v18 =	vmul.f32 $1.732050780e+00, v18;
	v21 =	vmul.f32 v35, v17  }
0x99: {  	v23 =	vadd.f32 v40, v23;
	v55 =	vadd.f32 v54, v53;
	v57 =	vmul.f32 v24, v24  }
0x9a: {  	v48 =	vadd.f32 v44, v43;
	v12 =	vmul.f32 v18, v12;
	v21 =	vsub.f32 $1.500000000e+00, v21  }
0x9b: {  	v9 =	vmul.f32 v18, v9;
	v15 =	vmul.f32 v18, v15;
	v46 =	vadd.f32 $9.999999960e-13, v23  }
0x9c: {  	v23 =	vsub.f32 v45, v47;
	v17 =	vmul.f32 v21, v17;
	v21 =	vadd.f32 v49, v48  }
0x9d: {  	v27 =	vadd.f32 v56, v55;
	v35 =	vshra.s32 v46, $0x1;
	v18 =	vmul.f32 $5.000000000e-01, v46  }
0x9e: {  	v32 =	vmul.f32 v23, v23;
	v52 =	vsub.s32 $0x5F3759DF, v35;
	v21 =	vadd.f32 $9.999999960e-13, v21  }
0x9f: {  	v61 =	vmul.f32 v22, v22;
	v27 =	vadd.f32 $9.999999960e-13, v27;
	v35 =	vmul.f32 v52, v18  }
0xa0: {  	v60 =	vadd.f32 v32, v57;
	v59 =	vshra.s32 v21, $0x1;
	v21 =	vmul.f32 $5.000000000e-01, v21  }
0xa1: {  	v58 =	vmul.f32 v52, v35;
	v63 =	vsub.s32 $0x5F3759DF, v59  }
0xa2: {  	v40 =	vshra.s32 v27, $0x1;
	v29 =	vadd.f32 v61, v60;
	v35 =	vmul.f32 v63, v21  }
0xa3: {  	v27 =	vmul.f32 $5.000000000e-01, v27;
	v19 =	vmul.f32 v17, v19;
	v62 =	vsub.f32 $1.500000000e+00, v58  }
0xa4: {  	v30 =	vsub.s32 $0x5F3759DF, v40;
	v29 =	vadd.f32 $9.999999960e-13, v29;
	v41 =	vmul.f32 v63, v35  }
0xa5: {  	v36 =	vmul.f32 v30, v27;
	v25 =	vmul.f32 v52, v62  }
0xa6: {  	v37 =	vshra.s32 v29, $0x1;
	v29 =	vmul.f32 $5.000000000e-01, v29;
	v32 =	vsub.f32 $1.500000000e+00, v41  }
0xa7: {  	v36 =	vmul.f32 v30, v36;
	v37 =	vsub.s32 $0x5F3759DF, v37;
	v42 =	vmul.f32 v25, v18  }
0xa8: {  	v43 =	vmul.f32 v37, v29;
	v32 =	vmul.f32 v63, v32  }
0xa9: {  	v19 =	vmul.f32 v19, v17;
	v36 =	vsub.f32 $1.500000000e+00, v36;
	v35 =	vmul.f32 v42, v25  }
0xaa: {  	v34 =	vmul.f32 v37, v43;
	v38 =	vmul.f32 v32, v21  }
0xab: {  	v30 =	vmul.f32 v30, v36;
	v35 =	vsub.f32 $1.500000000e+00, v35  }
0xac: {  	v19 =	vsub.f32 $1.500000000e+00, v19;
	v34 =	vsub.f32 $1.500000000e+00, v34;
	v44 =	vmul.f32 v38, v32  }
0xad: {  	v36 =	vmul.f32 v30, v27;
	v25 =	vmul.f32 v35, v25  }
0xae: {  	v17 =	vmul.f32 v19, v17;
	v45 =	vmul.f32 v37, v34;
	v46 =	vsub.f32 $1.500000000e+00, v44  }
0xaf: {  	[tilespmem:$0x400] =	vst v11;
	v48 =	vmul.f32 v36, v30;
	v18 =	vmul.f32 v25, v18  }
0xb0: {  	[tilespmem:$0x480] =	vst v31;
	v50 =	vmul.f32 v45, v29;
	v49 =	vmul.f32 v46, v32  }
0xb1: {  	[tilespmem:$0x500] =	vst v33;
	v17 =	vmul.f32 $1.732050780e+00, v17;
	v47 =	vmul.f32 v18, v25;
	v18 =	vsub.f32 $1.500000000e+00, v48  }
0xb2: {  	[tilespmem:$0x410] =	vst v7;
	v52 =	vmul.f32 v50, v45;
	v51 =	vmul.f32 v49, v21  }
0xb3: {  	[tilespmem:$0x490] =	vst v8;
	v3 =	vmul.f32 v17, v3;
	v11 =	vsub.f32 $1.500000000e+00, v47;
	v54 =	vmul.f32 v18, v30  }
0xb4: {  	[tilespmem:$0x510] =	vst v10;
	v1 =	vmul.f32 v17, v1;
	v55 =	vsub.f32 $1.500000000e+00, v52;
	v7 =	vmul.f32 v51, v49  }
0xb5: {  	[tilespmem:$0x420] =	vst v12;
	v53 =	vmul.f32 v11, v25;
	v56 =	vmul.f32 v54, v27  }
0xb6: {  	[tilespmem:$0x4A0] =	vst v9;
	v2 =	vmul.f32 v17, v2;
	v57 =	vmul.f32 v55, v45;
	v7 =	vsub.f32 $1.500000000e+00, v7  }
0xb7: {  	[tilespmem:$0x520] =	vst v15;
	v8 =	vmul.f32 $1.732050780e+00, v53;
	v58 =	vmul.f32 v56, v54  }
0xb8: {  	[tilespmem:$0x430] =	vst v3;
	v59 =	vmul.f32 v57, v29;
	v3 =	vmul.f32 v7, v49  }
0xb9: {  	[tilespmem:$0x4B0] =	vst v1;
	v1 =	vmul.f32 v8, v5;
	v60 =	vmul.f32 v8, v6;
	v61 =	vsub.f32 $1.500000000e+00, v58  }
0xba: {  	[tilespmem:$0x530] =	vst v2;
	v2 =	vmul.f32 $1.732050780e+00, v3;
	v3 =	vmul.f32 v59, v57  }
0xbb: {  	[tilespmem:$0x440] =	vst v1;
	v1 =	vmul.f32 v8, v4;
	v62 =	vmul.f32 v61, v54  }
0xbc: {  	[tilespmem:$0x4C0] =	vst v60;
	v63 =	vmul.f32 v2, v13;
	v3 =	vsub.f32 $1.500000000e+00, v3  }
0xbd: {  	[tilespmem:$0x540] =	vst v1;
	v4 =	vmul.f32 $1.732050780e+00, v62;
	v1 =	vmul.f32 v2, v14  }
0xbe: {  	v2 =	vmul.f32 v2, v28;
	[tilespmem:$0x450] =	vst v63;
	v3 =	vmul.f32 v3, v57  }
0xbf: {  	[tilespmem:$0x4D0] =	vst v1;
	v1 =	vmul.f32 v4, v16  }
0xc0: {  	[tilespmem:$0x550] =	vst v2;
	v2 =	vmul.f32 v4, v20;
	v3 =	vmul.f32 $1.732050780e+00, v3  }
0xc1: {  	[tilespmem:$0x460] =	vst v1;
	v1 =	vmul.f32 v4, v26  }
0xc2: {  	[tilespmem:$0x4E0] =	vst v2;
	v2 =	vmul.f32 v3, v24  }
0xc3: {  	[tilespmem:$0x560] =	vst v1;
	v1 =	vmul.f32 v3, v23  }
0xc4: {  	[tilespmem:$0x470] =	vst v2;
	v2 =	vmul.f32 v3, v22  }
0xc5: {  	[tilespmem:$0x4F0] =	vst v1  }
0xc6: {  	[tilespmem:$0x570] =	vst v2  }
0xc7: {  	[spmem:s1] =	stream.indirect.scatter.add.f32 [tilespmem:s6], [sflag:$0x2], $0x1, s24, s24, $0xb8;
	[tilespmem:$0x1000] =	vst v63  }
0xc8: {  	_ =	swait.ge [sflag:s22], $0x80  }
0xc9: {  	[sflag:s22] =	ssyncset.done $0x0  }
0xca: {  	[sflag:s22] =	ssyncadd.s32 $0xFFFFFF80  }
0xcb: {  	[spmem:s2] =	stream.indirect.scatter.add.f32 [tilespmem:s12], [sflag:$0x2], $0x1, s24, s24, $0xb8;
	[tilespmem:$0x1000] =	vst v63  }
0xcc: {  	_ =	swait.ge [sflag:s22], $0x80  }
0xcd: {  	[sflag:s22] =	ssyncset.done $0x0  }
0xce: {  	[sflag:s22] =	ssyncadd.s32 $0xFFFFFF80  }
0xcf: {  	[spmem:s3] =	stream.indirect.scatter.add.f32 [tilespmem:s14], [sflag:$0x2], $0x1, s24, s24, $0xb8;
	[tilespmem:$0x1000] =	vst v63  }
0xd0: {  	_ =	swait.ge [sflag:s22], $0x80  }
0xd1: {  	p0 =	sne.s32 s13, $0x270;
	[sflag:s22] =	ssyncset.done $0x0  }
.Ltmp0:
0xd2: {  	[sflag:s22] =	ssyncadd.s32 $0xFFFFFF80;
	(pc) =	sbr.rel @p0 .LBB2_2-.Ltmp0, $4  }
0xd3: {  	[spmem:s4] =	stream.indirect.scatter.add.f32 [tilespmem:s15], [sflag:$0x2], $0x1, s24, s24, $0xb8;
	[tilespmem:$0x1000] =	vst v63  }
0xd4: {  	_ =	swait.ge [sflag:s22], $0x80  }
0xd5: {  	[sflag:s22] =	ssyncset.done $0x0  }
0xd6: {  	s13 =	sadd.s32 $0x10, s13;
	[sflag:s22] =	ssyncadd.s32 $0xFFFFFF80  }
0xd7: {  	[bflag:$0x0] =	sbarrier.arrive $0xFFFF  }
0xd8: {  	s13 =	rddreg [dreg:$0x8]  }
0xd9: {  	[hbm:s13], [sflag:s11] =	dma.local [spmem:s23], $0x50  }
0xda: {  	_ =	swait.ge [sflag:s22], $0x50  }
0xdb: {  	[sflag:s22] =	ssyncset.done $0x0;
	s13 =	rddreg [dreg:$0xa]  }
0xdc: {  	s21 =	smov.u32 s23;
	s23 =	rddreg [dreg:$0xe];
	[sflag:s22] =	ssyncadd.s32 $0xFFFFFFB0  }
0xdd: {  	[hbm:s13], [sflag:s11] =	dma.local [spmem:s23], $0x50  }
0xde: {  	_ =	swait.ge [sflag:s22], $0x50  }
0xdf: {  	[sflag:s22] =	ssyncset.done $0x0  }
0xe0: {  	s13 =	rddreg [dreg:$0xb];
	[sflag:s22] =	ssyncadd.s32 $0xFFFFFFB0  }
0xe1: {  	[hbm:s13], [sflag:s11] =	dma.local [spmem:s17], $0x50  }
0xe2: {  	_ =	swait.ge [sflag:s22], $0x50  }
0xe3: {  	[sflag:s22] =	ssyncset.done $0x0  }
0xe4: {  	s17 =	rddreg [dreg:$0xc];
	[sflag:s22] =	ssyncadd.s32 $0xFFFFFFB0  }
0xe5: {  	[hbm:s17], [sflag:s11] =	dma.local [spmem:s18], $0x50  }
0xe6: {  	_ =	swait.ge [sflag:s22], $0x50  }
0xe7: {  	s16 =	sadd.s32 $0x1, s16;
	s18 =	rddreg [dreg:$0xd]  }
0xe8: {  	p0 =	sne.s32 s16, s18  }
.Ltmp1:
0xe9: {  	_ = 	snop;
	(pc) =	sbr.rel @p0 .LBB2_1-.Ltmp1, $3  }
0xea: {  	_ =	sdelay $0x1  }
0xeb: {  	[sflag:s22] =	ssyncset.done $0x0  }
0xec: {  	s13 =	smov.u32 s23;
	[sflag:s22] =	ssyncadd.s32 $0xFFFFFFB0  }
0xed: {  	_ =	sfence.sel $0x180000  }
0xee: {  	[bflag:$0x0] =	sbarrier.arrive $0xFFFF  }
0xef: {  	_ =	strace $0x90000047  }
0xf0: {  	s0 =	stileid.u32;
	[bflag:$0x2] =	sbarrier.arrive $0xFFFF  }
0xf1: {  	p0 =	sne.s32 s0, $0x0;
	s0 =	rddreg [dreg:$0x6]  }
0xf2: {  	s0 =	sadd.s32 @!p0 $0x100000, s0  }
0xf3: {  	[sflag:s0] =	ssyncadd.tile.s32 @!p0 $0x1;
	_ =	shalt  }
.Lfunc_end2:
_tile_overlayer_lowered:
.L_overlay_start_2:
0xf4: {  	(tag) =	ssettag $0x2  }
0xf5: {  	s0 =	rddreg [dreg:$0x0];
	s2 =	stileid.u32  }
0xf6: {  	s1 =	rddreg [dreg:$0x1];
	p0 =	sne.s32 s2, $0x0  }
0xf7: {  	s3 =	rddreg [dreg:$0x2];
	[bflag:$0x3] =	sbarrier.arrive $0xFFFF;
	s2 =	simm.s32 @!p0 $0x1C02  }
0xf8: {  	[timem:s3], [sflag:s2] =	dma.local @!p0 [hbm:s0], s1  }
0xf9: {  	s0 =	simm.s32 @!p0 $0x2  }
0xfa: {  	_ =	swait.ge @!p0 [sflag:s0], s1  }
0xfb: {  	s1 =	ssub.s32 @!p0 $0x0, s1;
	[sflag:s0] =	ssyncset.done @!p0 $0x0  }
0xfc: {  	[sflag:s0] =	ssyncadd.s32 @!p0 s1  }
0xfd: {  	[bflag:$0x3] =	sbarrier.arrive $0xFFFF  }
0xfe: {  	_ =	shalt  }

</sc_bundles>
